<compile_context>
chip_gen: v7x
topology: tpu7x:2x2x1
jax: 0.10.2.dev20260603
libtpu: 0.0.44.dev20260713+nightly
codegen_flags: <defaults>
</compile_context>

<pallas_src>
import functools

import jax
import jax.numpy as jnp
from jax import lax
from jax.experimental import pallas as pl
from jax.experimental.pallas import tpu as pltpu
from jax.experimental.pallas import tpu_sc as plsc

_B = 16384
_D = 64
_HD = _D // 2
_NW = 32
_BPW = _B // _NW
_LBITS = 9
_LSIZE = 1 << _LBITS
_HSIZE = (100000 + _LSIZE - 1) // _LSIZE
_L = 16


def _sc_reconstruct(t, hs, hc, ls, lc):
    mesh = plsc.VectorSubcoreMesh(core_axis_name="c", subcore_axis_name="s")

    @functools.partial(
        pl.kernel,
        mesh=mesh,
        out_type=jax.ShapeDtypeStruct((_B * _D,), jnp.float32),
        scratch_types=[
            pltpu.VMEM((_HSIZE, _HD), jnp.float32),
            pltpu.VMEM((_HSIZE, _HD), jnp.float32),
            pltpu.VMEM((_LSIZE, _HD), jnp.float32),
            pltpu.VMEM((_LSIZE, _HD), jnp.float32),
            pltpu.VMEM((_BPW,), jnp.int32),
            pltpu.VMEM((_BPW * _D,), jnp.float32),
            pltpu.SemaphoreType.DMA,
        ],
        compiler_params=pltpu.CompilerParams(
            needs_layout_passes=False, use_tc_tiling_on_sc=False),
    )
    def k(t_hbm, hs_hbm, hc_hbm, ls_hbm, lc_hbm, out_hbm,
          hs_v, hc_v, ls_v, lc_v, idx_v, stage, sem):
        wid = lax.axis_index("s") * 2 + lax.axis_index("c")
        base = wid * _BPW
        cps = [
            pltpu.async_copy(hs_hbm, hs_v, sem),
            pltpu.async_copy(hc_hbm, hc_v, sem),
            pltpu.async_copy(ls_hbm, ls_v, sem),
            pltpu.async_copy(lc_hbm, lc_v, sem),
            pltpu.async_copy(t_hbm.at[pl.ds(base, _BPW)], idx_v, sem),
        ]
        for cp in cps:
            cp.wait()

        evens = lax.iota(jnp.int32, _L) * 2
        odds = evens + 1

        @plsc.parallel_loop(0, _BPW // _L, unroll=2)
        def body(j):
            v16 = idx_v[pl.ds(j * _L, _L)]
            hv = lax.shift_right_logical(v16, _LBITS)
            lv = lax.bitwise_and(v16, _LSIZE - 1)
            for e in range(_L):
                h = hv[e]
                l = lv[e]
                i64 = (j * _L + e) * _D
                for q in range(_HD // _L):
                    off = q * _L
                    vhs = hs_v[h, pl.ds(off, _L)]
                    vhc = hc_v[h, pl.ds(off, _L)]
                    vls = ls_v[l, pl.ds(off, _L)]
                    vlc = lc_v[l, pl.ds(off, _L)]
                    s = vhs * vlc + vhc * vls
                    c = vhc * vlc - vhs * vls
                    pos = i64 + q * 2 * _L
                    plsc.store_scatter(stage, [evens + pos], s)
                    plsc.store_scatter(stage, [odds + pos], c)

        pltpu.sync_copy(stage, out_hbm.at[pl.ds(base * _D, _BPW * _D)])

    return k(t, hs, hc, ls, lc)


def kernel(t, pe):
    idx = t.reshape(-1).astype(jnp.int32)
    a = pe[::_LSIZE]
    a = lax.optimization_barrier(a)
    lall = pe[:_LSIZE]
    lall = lax.optimization_barrier(lall)
    hs = a[:, 0::2]
    hc = a[:, 1::2]
    ls = lall[:, 0::2]
    lc = lall[:, 1::2]
    flat = _sc_reconstruct(idx, hs, hc, ls, lc)
    return flat.reshape(_B, _D)

# --- scband reference (transcript-rebuilt; emitter-appended) ---
"""Pipeline reference for scband-sinusoidal-embedding-37976100831558 (READ-ONLY COPY).

The authoritative reference and input builder live on the scoring server;
editing this copy changes nothing except your own understanding.
"""

import jax, jax.numpy as jnp
import numpy as np
import math

N_STEPS = 100000
STEPS_DIM = 64

def _build_pe(n_steps, steps_dim):
    position = np.arange(n_steps, dtype=np.float64)[:, None]
    emb = np.arange(0, steps_dim, 2, dtype=np.float64) / steps_dim * math.log(10000.0)
    div_term = np.exp(-emb)
    pe = np.zeros((n_steps, steps_dim), dtype=np.float64)
    pe[:, 0::2] = np.sin(position * div_term)
    pe[:, 1::2] = np.cos(position * div_term)
    return jnp.asarray(pe, dtype=jnp.float32)

def setup_inputs(seed: int = 0) -> dict:
    key = jax.random.key(seed)
    t = jax.random.randint(key, (16384,), 0, N_STEPS, dtype=jnp.int64 if jax.config.jax_enable_x64 else jnp.int32)
    pe = _build_pe(N_STEPS, STEPS_DIM)
    return {"t": t, "pe": pe}

def reference(t, pe):
    # Faithful to torch: self.pe(t.view(-1)) -> embedding gather
    idx = t.reshape(-1)
    return jnp.take(pe, idx, axis=0)

if __name__ == "__main__":
    import jax
    _d = setup_inputs()
    print(jax.jit(kernel)(*tuple(_d.values())))

</pallas_src>

<mosaic_0001>
#map = affine_map<(d0, d1) -> (0)>
#map1 = affine_map<(d0, d1) -> (0, 0)>
module attributes {stable_mosaic.version = 14 : i64} {
  func.func @k(%arg0: i32, %arg1: i32, %arg2: memref<16384xi32, #tpu.memory_space<hbm>>, %arg3: memref<196x32xf32, #tpu.memory_space<hbm>>, %arg4: memref<196x32xf32, #tpu.memory_space<hbm>>, %arg5: memref<512x32xf32, #tpu.memory_space<hbm>>, %arg6: memref<512x32xf32, #tpu.memory_space<hbm>>, %arg7: memref<1048576xf32, #tpu.memory_space<hbm>>, %arg8: memref<196x32xf32, #tpu.memory_space<vmem>>, %arg9: memref<196x32xf32, #tpu.memory_space<vmem>>, %arg10: memref<512x32xf32, #tpu.memory_space<vmem>>, %arg11: memref<512x32xf32, #tpu.memory_space<vmem>>, %arg12: memref<512xi32, #tpu.memory_space<vmem>>, %arg13: memref<32768xf32, #tpu.memory_space<vmem>>, %arg14: memref<!tpu.dma_semaphore, #tpu.memory_space<semaphore_mem>>) attributes {dimension_semantics = [#tpu.dimension_semantics<core_parallel>, #tpu.dimension_semantics<subcore_parallel>], iteration_bounds = array<i64: 2, 16>, scalar_prefetch = 0 : i64, scratch_operands = 7 : i64, tpu.core_type = #tpu.core_type<sc_vector_subcore>, window_params = [{transform_indices = #map}, {transform_indices = #map1}, {transform_indices = #map1}, {transform_indices = #map1}, {transform_indices = #map1}, {transform_indices = #map}]} {
    %mul3A = arith.constant 2 : i32
    %mul3A_0 = arith.muli %arg1, %mul3A : i32
    %add3A = arith.addi %mul3A_0, %arg0 : i32
    %mul3A_1 = arith.constant 512 : i32
    %mul3A_2 = arith.muli %add3A, %mul3A_1 : i32
    tpu.enqueue_dma source(%arg3 : memref<196x32xf32, #tpu.memory_space<hbm>>) target(%arg8 : memref<196x32xf32, #tpu.memory_space<vmem>>) target_semaphore(%arg14 : memref<!tpu.dma_semaphore, #tpu.memory_space<semaphore_mem>>)
    tpu.enqueue_dma source(%arg4 : memref<196x32xf32, #tpu.memory_space<hbm>>) target(%arg9 : memref<196x32xf32, #tpu.memory_space<vmem>>) target_semaphore(%arg14 : memref<!tpu.dma_semaphore, #tpu.memory_space<semaphore_mem>>)
    tpu.enqueue_dma source(%arg5 : memref<512x32xf32, #tpu.memory_space<hbm>>) target(%arg10 : memref<512x32xf32, #tpu.memory_space<vmem>>) target_semaphore(%arg14 : memref<!tpu.dma_semaphore, #tpu.memory_space<semaphore_mem>>)
    tpu.enqueue_dma source(%arg6 : memref<512x32xf32, #tpu.memory_space<hbm>>) target(%arg11 : memref<512x32xf32, #tpu.memory_space<vmem>>) target_semaphore(%arg14 : memref<!tpu.dma_semaphore, #tpu.memory_space<semaphore_mem>>)
    %dma_start3A = tpu.memref_slice %arg2[%mul3A_2] : memref<16384xi32, #tpu.memory_space<hbm>> -> memref<512xi32, #tpu.memory_space<hbm>>
    %dma_start3A_3 = tpu.memref_slice %arg2[%mul3A_2] : memref<16384xi32, #tpu.memory_space<hbm>> -> memref<512xi32, #tpu.memory_space<hbm>>
    tpu.enqueue_dma source(%dma_start3A_3 : memref<512xi32, #tpu.memory_space<hbm>>) target(%arg12 : memref<512xi32, #tpu.memory_space<vmem>>) target_semaphore(%arg14 : memref<!tpu.dma_semaphore, #tpu.memory_space<semaphore_mem>>)
    tpu.wait_dma2 semaphore(%arg14 : memref<!tpu.dma_semaphore, #tpu.memory_space<semaphore_mem>>) src(%arg3 : memref<196x32xf32, #tpu.memory_space<hbm>>) dst(%arg8 : memref<196x32xf32, #tpu.memory_space<vmem>>)
    tpu.wait_dma2 semaphore(%arg14 : memref<!tpu.dma_semaphore, #tpu.memory_space<semaphore_mem>>) src(%arg4 : memref<196x32xf32, #tpu.memory_space<hbm>>) dst(%arg9 : memref<196x32xf32, #tpu.memory_space<vmem>>)
    tpu.wait_dma2 semaphore(%arg14 : memref<!tpu.dma_semaphore, #tpu.memory_space<semaphore_mem>>) src(%arg5 : memref<512x32xf32, #tpu.memory_space<hbm>>) dst(%arg10 : memref<512x32xf32, #tpu.memory_space<vmem>>)
    tpu.wait_dma2 semaphore(%arg14 : memref<!tpu.dma_semaphore, #tpu.memory_space<semaphore_mem>>) src(%arg6 : memref<512x32xf32, #tpu.memory_space<hbm>>) dst(%arg11 : memref<512x32xf32, #tpu.memory_space<vmem>>)
    %dma_wait3A = tpu.memref_slice %arg2[%mul3A_2] : memref<16384xi32, #tpu.memory_space<hbm>> -> memref<512xi32, #tpu.memory_space<hbm>>
    %dma_wait3A_4 = tpu.memref_slice %arg2[%mul3A_2] : memref<16384xi32, #tpu.memory_space<hbm>> -> memref<512xi32, #tpu.memory_space<hbm>>
    tpu.wait_dma2 semaphore(%arg14 : memref<!tpu.dma_semaphore, #tpu.memory_space<semaphore_mem>>) src(%dma_wait3A_4 : memref<512xi32, #tpu.memory_space<hbm>>) dst(%arg12 : memref<512xi32, #tpu.memory_space<vmem>>)
    %iota3A = tpu.iota {dimensions = array<i32: 0>} : vector<16xi32>
    %mul3A_5 = arith.constant 2 : i32
    %mul3A_6 = vector.broadcast %mul3A_5 : i32 to vector<16xi32>
    %mul3A_7 = arith.muli %iota3A, %mul3A_6 : vector<16xi32>
    %add3A_8 = arith.constant 1 : i32
    %add3A_9 = vector.broadcast %add3A_8 : i32 to vector<16xi32>
    %add3A_10 = arith.addi %mul3A_7, %add3A_9 : vector<16xi32>
    %parallel_loop3A = arith.constant 0 : i32
    %parallel_loop3A_11 = arith.constant 32 : i32
    %parallel_loop3A_12 = arith.constant 1 : i32
    scf.for %parallel_loop3A_15 = %parallel_loop3A to %parallel_loop3A_11 step %parallel_loop3A_12  : i32 {
      %parallel_loop3A_16 = arith.constant 16 : i32
      %parallel_loop3A_17 = arith.muli %parallel_loop3A_15, %parallel_loop3A_16 : i32
      %parallel_loop3A_18 = arith.index_cast %parallel_loop3A_17 : i32 to index
      %parallel_loop3A_19 = tpu.vector_load %arg12[%parallel_loop3A_18] {strides = array<i32>} : memref<512xi32, #tpu.memory_space<vmem>>, vector<16xi32>,
      %parallel_loop3A_20 = arith.constant 9 : i32
      %parallel_loop3A_21 = vector.broadcast %parallel_loop3A_20 : i32 to vector<16xi32>
      %parallel_loop3A_22 = arith.shrui %parallel_loop3A_19, %parallel_loop3A_21 : vector<16xi32>
      %parallel_loop3A_23 = arith.constant 511 : i32
      %parallel_loop3A_24 = vector.broadcast %parallel_loop3A_23 : i32 to vector<16xi32>
      %parallel_loop3A_25 = arith.andi %parallel_loop3A_19, %parallel_loop3A_24 : vector<16xi32>
      %parallel_loop3A_26 = vector.extract_strided_slice %parallel_loop3A_22 {offsets = [0], sizes = [1], strides = [1]} : vector<16xi32> to vector<1xi32>
      %parallel_loop3A_27 = vector.extract %parallel_loop3A_26[0] : i32 from vector<1xi32>
      %parallel_loop3A_28 = vector.extract_strided_slice %parallel_loop3A_25 {offsets = [0], sizes = [1], strides = [1]} : vector<16xi32> to vector<1xi32>
      %parallel_loop3A_29 = vector.extract %parallel_loop3A_28[0] : i32 from vector<1xi32>
      %parallel_loop3A_30 = arith.constant 16 : i32
      %parallel_loop3A_31 = arith.muli %parallel_loop3A_15, %parallel_loop3A_30 : i32
      %parallel_loop3A_32 = arith.constant 0 : i32
      %parallel_loop3A_33 = arith.addi %parallel_loop3A_31, %parallel_loop3A_32 : i32
      %parallel_loop3A_34 = arith.constant 64 : i32
      %parallel_loop3A_35 = arith.muli %parallel_loop3A_33, %parallel_loop3A_34 : i32
      %parallel_loop3A_36 = arith.index_cast %parallel_loop3A_27 : i32 to index
      %parallel_loop3A_37 = arith.constant 0 : index
      %parallel_loop3A_38 = tpu.vector_load %arg8[%parallel_loop3A_36, %parallel_loop3A_37] {strides = array<i32>} : memref<196x32xf32, #tpu.memory_space<vmem>>, vector<16xf32>,
      %parallel_loop3A_39 = arith.index_cast %parallel_loop3A_27 : i32 to index
      %parallel_loop3A_40 = arith.constant 0 : index
      %parallel_loop3A_41 = tpu.vector_load %arg9[%parallel_loop3A_39, %parallel_loop3A_40] {strides = array<i32>} : memref<196x32xf32, #tpu.memory_space<vmem>>, vector<16xf32>,
      %parallel_loop3A_42 = arith.index_cast %parallel_loop3A_29 : i32 to index
      %parallel_loop3A_43 = arith.constant 0 : index
      %parallel_loop3A_44 = tpu.vector_load %arg10[%parallel_loop3A_42, %parallel_loop3A_43] {strides = array<i32>} : memref<512x32xf32, #tpu.memory_space<vmem>>, vector<16xf32>,
      %parallel_loop3A_45 = arith.index_cast %parallel_loop3A_29 : i32 to index
      %parallel_loop3A_46 = arith.constant 0 : index
      %parallel_loop3A_47 = tpu.vector_load %arg11[%parallel_loop3A_45, %parallel_loop3A_46] {strides = array<i32>} : memref<512x32xf32, #tpu.memory_space<vmem>>, vector<16xf32>,
      %parallel_loop3A_48 = arith.mulf %parallel_loop3A_38, %parallel_loop3A_47 : vector<16xf32>
      %parallel_loop3A_49 = arith.mulf %parallel_loop3A_41, %parallel_loop3A_44 : vector<16xf32>
      %parallel_loop3A_50 = arith.addf %parallel_loop3A_48, %parallel_loop3A_49 : vector<16xf32>
      %parallel_loop3A_51 = arith.mulf %parallel_loop3A_41, %parallel_loop3A_47 : vector<16xf32>
      %parallel_loop3A_52 = arith.mulf %parallel_loop3A_38, %parallel_loop3A_44 : vector<16xf32>
      %parallel_loop3A_53 = arith.subf %parallel_loop3A_51, %parallel_loop3A_52 : vector<16xf32>
      %parallel_loop3A_54 = arith.constant 0 : i32
      %parallel_loop3A_55 = arith.addi %parallel_loop3A_35, %parallel_loop3A_54 : i32
      %parallel_loop3A_56 = vector.broadcast %parallel_loop3A_55 : i32 to vector<16xi32>
      %parallel_loop3A_57 = arith.addi %mul3A_7, %parallel_loop3A_56 : vector<16xi32>
      tpu.vector_store_idx %arg13[%parallel_loop3A_57], %parallel_loop3A_50 : memref<32768xf32, #tpu.memory_space<vmem>>[vector<16xi32>], vector<16xf32>,
      %parallel_loop3A_58 = vector.broadcast %parallel_loop3A_55 : i32 to vector<16xi32>
      %parallel_loop3A_59 = arith.addi %add3A_10, %parallel_loop3A_58 : vector<16xi32>
      tpu.vector_store_idx %arg13[%parallel_loop3A_59], %parallel_loop3A_53 : memref<32768xf32, #tpu.memory_space<vmem>>[vector<16xi32>], vector<16xf32>,
      %parallel_loop3A_60 = arith.index_cast %parallel_loop3A_27 : i32 to index
      %parallel_loop3A_61 = arith.constant 16 : index
      %parallel_loop3A_62 = tpu.vector_load %arg8[%parallel_loop3A_60, %parallel_loop3A_61] {strides = array<i32>} : memref<196x32xf32, #tpu.memory_space<vmem>>, vector<16xf32>,
      %parallel_loop3A_63 = arith.index_cast %parallel_loop3A_27 : i32 to index
      %parallel_loop3A_64 = arith.constant 16 : index
      %parallel_loop3A_65 = tpu.vector_load %arg9[%parallel_loop3A_63, %parallel_loop3A_64] {strides = array<i32>} : memref<196x32xf32, #tpu.memory_space<vmem>>, vector<16xf32>,
      %parallel_loop3A_66 = arith.index_cast %parallel_loop3A_29 : i32 to index
      %parallel_loop3A_67 = arith.constant 16 : index
      %parallel_loop3A_68 = tpu.vector_load %arg10[%parallel_loop3A_66, %parallel_loop3A_67] {strides = array<i32>} : memref<512x32xf32, #tpu.memory_space<vmem>>, vector<16xf32>,
      %parallel_loop3A_69 = arith.index_cast %parallel_loop3A_29 : i32 to index
      %parallel_loop3A_70 = arith.constant 16 : index
      %parallel_loop3A_71 = tpu.vector_load %arg11[%parallel_loop3A_69, %parallel_loop3A_70] {strides = array<i32>} : memref<512x32xf32, #tpu.memory_space<vmem>>, vector<16xf32>,
      %parallel_loop3A_72 = arith.mulf %parallel_loop3A_62, %parallel_loop3A_71 : vector<16xf32>
      %parallel_loop3A_73 = arith.mulf %parallel_loop3A_65, %parallel_loop3A_68 : vector<16xf32>
      %parallel_loop3A_74 = arith.addf %parallel_loop3A_72, %parallel_loop3A_73 : vector<16xf32>
      %parallel_loop3A_75 = arith.mulf %parallel_loop3A_65, %parallel_loop3A_71 : vector<16xf32>
      %parallel_loop3A_76 = arith.mulf %parallel_loop3A_62, %parallel_loop3A_68 : vector<16xf32>
      %parallel_loop3A_77 = arith.subf %parallel_loop3A_75, %parallel_loop3A_76 : vector<16xf32>
      %parallel_loop3A_78 = arith.constant 32 : i32
      %parallel_loop3A_79 = arith.addi %parallel_loop3A_35, %parallel_loop3A_78 : i32
      %parallel_loop3A_80 = vector.broadcast %parallel_loop3A_79 : i32 to vector<16xi32>
      %parallel_loop3A_81 = arith.addi %mul3A_7, %parallel_loop3A_80 : vector<16xi32>
      tpu.vector_store_idx %arg13[%parallel_loop3A_81], %parallel_loop3A_74 : memref<32768xf32, #tpu.memory_space<vmem>>[vector<16xi32>], vector<16xf32>,
      %parallel_loop3A_82 = vector.broadcast %parallel_loop3A_79 : i32 to vector<16xi32>
      %parallel_loop3A_83 = arith.addi %add3A_10, %parallel_loop3A_82 : vector<16xi32>
      tpu.vector_store_idx %arg13[%parallel_loop3A_83], %parallel_loop3A_77 : memref<32768xf32, #tpu.memory_space<vmem>>[vector<16xi32>], vector<16xf32>,
      %parallel_loop3A_84 = vector.extract_strided_slice %parallel_loop3A_22 {offsets = [1], sizes = [1], strides = [1]} : vector<16xi32> to vector<1xi32>
      %parallel_loop3A_85 = vector.extract %parallel_loop3A_84[0] : i32 from vector<1xi32>
      %parallel_loop3A_86 = vector.extract_strided_slice %parallel_loop3A_25 {offsets = [1], sizes = [1], strides = [1]} : vector<16xi32> to vector<1xi32>
      %parallel_loop3A_87 = vector.extract %parallel_loop3A_86[0] : i32 from vector<1xi32>
      %parallel_loop3A_88 = arith.constant 16 : i32
      %parallel_loop3A_89 = arith.muli %parallel_loop3A_15, %parallel_loop3A_88 : i32
      %parallel_loop3A_90 = arith.constant 1 : i32
      %parallel_loop3A_91 = arith.addi %parallel_loop3A_89, %parallel_loop3A_90 : i32
      %parallel_loop3A_92 = arith.constant 64 : i32
      %parallel_loop3A_93 = arith.muli %parallel_loop3A_91, %parallel_loop3A_92 : i32
      %parallel_loop3A_94 = arith.index_cast %parallel_loop3A_85 : i32 to index
      %parallel_loop3A_95 = arith.constant 0 : index
      %parallel_loop3A_96 = tpu.vector_load %arg8[%parallel_loop3A_94, %parallel_loop3A_95] {strides = array<i32>} : memref<196x32xf32, #tpu.memory_space<vmem>>, vector<16xf32>,
      %parallel_loop3A_97 = arith.index_cast %parallel_loop3A_85 : i32 to index
      %parallel_loop3A_98 = arith.constant 0 : index
      %parallel_loop3A_99 = tpu.vector_load %arg9[%parallel_loop3A_97, %parallel_loop3A_98] {strides = array<i32>} : memref<196x32xf32, #tpu.memory_space<vmem>>, vector<16xf32>,
      %parallel_loop3A_100 = arith.index_cast %parallel_loop3A_87 : i32 to index
      %parallel_loop3A_101 = arith.constant 0 : index
      %parallel_loop3A_102 = tpu.vector_load %arg10[%parallel_loop3A_100, %parallel_loop3A_101] {strides = array<i32>} : memref<512x32xf32, #tpu.memory_space<vmem>>, vector<16xf32>,
      %parallel_loop3A_103 = arith.index_cast %parallel_loop3A_87 : i32 to index
      %parallel_loop3A_104 = arith.constant 0 : index
      %parallel_loop3A_105 = tpu.vector_load %arg11[%parallel_loop3A_103, %parallel_loop3A_104] {strides = array<i32>} : memref<512x32xf32, #tpu.memory_space<vmem>>, vector<16xf32>,
      %parallel_loop3A_106 = arith.mulf %parallel_loop3A_96, %parallel_loop3A_105 : vector<16xf32>
      %parallel_loop3A_107 = arith.mulf %parallel_loop3A_99, %parallel_loop3A_102 : vector<16xf32>
      %parallel_loop3A_108 = arith.addf %parallel_loop3A_106, %parallel_loop3A_107 : vector<16xf32>
      %parallel_loop3A_109 = arith.mulf %parallel_loop3A_99, %parallel_loop3A_105 : vector<16xf32>
      %parallel_loop3A_110 = arith.mulf %parallel_loop3A_96, %parallel_loop3A_102 : vector<16xf32>
      %parallel_loop3A_111 = arith.subf %parallel_loop3A_109, %parallel_loop3A_110 : vector<16xf32>
      %parallel_loop3A_112 = arith.constant 0 : i32
      %parallel_loop3A_113 = arith.addi %parallel_loop3A_93, %parallel_loop3A_112 : i32
      %parallel_loop3A_114 = vector.broadcast %parallel_loop3A_113 : i32 to vector<16xi32>
      %parallel_loop3A_115 = arith.addi %mul3A_7, %parallel_loop3A_114 : vector<16xi32>
      tpu.vector_store_idx %arg13[%parallel_loop3A_115], %parallel_loop3A_108 : memref<32768xf32, #tpu.memory_space<vmem>>[vector<16xi32>], vector<16xf32>,
      %parallel_loop3A_116 = vector.broadcast %parallel_loop3A_113 : i32 to vector<16xi32>
      %parallel_loop3A_117 = arith.addi %add3A_10, %parallel_loop3A_116 : vector<16xi32>
      tpu.vector_store_idx %arg13[%parallel_loop3A_117], %parallel_loop3A_111 : memref<32768xf32, #tpu.memory_space<vmem>>[vector<16xi32>], vector<16xf32>,
      %parallel_loop3A_118 = arith.index_cast %parallel_loop3A_85 : i32 to index
      %parallel_loop3A_119 = arith.constant 16 : index
      %parallel_loop3A_120 = tpu.vector_load %arg8[%parallel_loop3A_118, %parallel_loop3A_119] {strides = array<i32>} : memref<196x32xf32, #tpu.memory_space<vmem>>, vector<16xf32>,
      %parallel_loop3A_121 = arith.index_cast %parallel_loop3A_85 : i32 to index
      %parallel_loop3A_122 = arith.constant 16 : index
      %parallel_loop3A_123 = tpu.vector_load %arg9[%parallel_loop3A_121, %parallel_loop3A_122] {strides = array<i32>} : memref<196x32xf32, #tpu.memory_space<vmem>>, vector<16xf32>,
      %parallel_loop3A_124 = arith.index_cast %parallel_loop3A_87 : i32 to index
      %parallel_loop3A_125 = arith.constant 16 : index
      %parallel_loop3A_126 = tpu.vector_load %arg10[%parallel_loop3A_124, %parallel_loop3A_125] {strides = array<i32>} : memref<512x32xf32, #tpu.memory_space<vmem>>, vector<16xf32>,
      %parallel_loop3A_127 = arith.index_cast %parallel_loop3A_87 : i32 to index
      %parallel_loop3A_128 = arith.constant 16 : index
      %parallel_loop3A_129 = tpu.vector_load %arg11[%parallel_loop3A_127, %parallel_loop3A_128] {strides = array<i32>} : memref<512x32xf32, #tpu.memory_space<vmem>>, vector<16xf32>,
      %parallel_loop3A_130 = arith.mulf %parallel_loop3A_120, %parallel_loop3A_129 : vector<16xf32>
      %parallel_loop3A_131 = arith.mulf %parallel_loop3A_123, %parallel_loop3A_126 : vector<16xf32>
      %parallel_loop3A_132 = arith.addf %parallel_loop3A_130, %parallel_loop3A_131 : vector<16xf32>
      %parallel_loop3A_133 = arith.mulf %parallel_loop3A_123, %parallel_loop3A_129 : vector<16xf32>
      %parallel_loop3A_134 = arith.mulf %parallel_loop3A_120, %parallel_loop3A_126 : vector<16xf32>
      %parallel_loop3A_135 = arith.subf %parallel_loop3A_133, %parallel_loop3A_134 : vector<16xf32>
      %parallel_loop3A_136 = arith.constant 32 : i32
      %parallel_loop3A_137 = arith.addi %parallel_loop3A_93, %parallel_loop3A_136 : i32
      %parallel_loop3A_138 = vector.broadcast %parallel_loop3A_137 : i32 to vector<16xi32>
      %parallel_loop3A_139 = arith.addi %mul3A_7, %parallel_loop3A_138 : vector<16xi32>
      tpu.vector_store_idx %arg13[%parallel_loop3A_139], %parallel_loop3A_132 : memref<32768xf32, #tpu.memory_space<vmem>>[vector<16xi32>], vector<16xf32>,
      %parallel_loop3A_140 = vector.broadcast %parallel_loop3A_137 : i32 to vector<16xi32>
      %parallel_loop3A_141 = arith.addi %add3A_10, %parallel_loop3A_140 : vector<16xi32>
      tpu.vector_store_idx %arg13[%parallel_loop3A_141], %parallel_loop3A_135 : memref<32768xf32, #tpu.memory_space<vmem>>[vector<16xi32>], vector<16xf32>,
      %parallel_loop3A_142 = vector.extract_strided_slice %parallel_loop3A_22 {offsets = [2], sizes = [1], strides = [1]} : vector<16xi32> to vector<1xi32>
      %parallel_loop3A_143 = vector.extract %parallel_loop3A_142[0] : i32 from vector<1xi32>
      %parallel_loop3A_144 = vector.extract_strided_slice %parallel_loop3A_25 {offsets = [2], sizes = [1], strides = [1]} : vector<16xi32> to vector<1xi32>
      %parallel_loop3A_145 = vector.extract %parallel_loop3A_144[0] : i32 from vector<1xi32>
      %parallel_loop3A_146 = arith.constant 16 : i32
      %parallel_loop3A_147 = arith.muli %parallel_loop3A_15, %parallel_loop3A_146 : i32
      %parallel_loop3A_148 = arith.constant 2 : i32
      %parallel_loop3A_149 = arith.addi %parallel_loop3A_147, %parallel_loop3A_148 : i32
      %parallel_loop3A_150 = arith.constant 64 : i32
      %parallel_loop3A_151 = arith.muli %parallel_loop3A_149, %parallel_loop3A_150 : i32
      %parallel_loop3A_152 = arith.index_cast %parallel_loop3A_143 : i32 to index
      %parallel_loop3A_153 = arith.constant 0 : index
      %parallel_loop3A_154 = tpu.vector_load %arg8[%parallel_loop3A_152, %parallel_loop3A_153] {strides = array<i32>} : memref<196x32xf32, #tpu.memory_space<vmem>>, vector<16xf32>,
      %parallel_loop3A_155 = arith.index_cast %parallel_loop3A_143 : i32 to index
      %parallel_loop3A_156 = arith.constant 0 : index
      %parallel_loop3A_157 = tpu.vector_load %arg9[%parallel_loop3A_155, %parallel_loop3A_156] {strides = array<i32>} : memref<196x32xf32, #tpu.memory_space<vmem>>, vector<16xf32>,
      %parallel_loop3A_158 = arith.index_cast %parallel_loop3A_145 : i32 to index
      %parallel_loop3A_159 = arith.constant 0 : index
      %parallel_loop3A_160 = tpu.vector_load %arg10[%parallel_loop3A_158, %parallel_loop3A_159] {strides = array<i32>} : memref<512x32xf32, #tpu.memory_space<vmem>>, vector<16xf32>,
      %parallel_loop3A_161 = arith.index_cast %parallel_loop3A_145 : i32 to index
      %parallel_loop3A_162 = arith.constant 0 : index
      %parallel_loop3A_163 = tpu.vector_load %arg11[%parallel_loop3A_161, %parallel_loop3A_162] {strides = array<i32>} : memref<512x32xf32, #tpu.memory_space<vmem>>, vector<16xf32>,
      %parallel_loop3A_164 = arith.mulf %parallel_loop3A_154, %parallel_loop3A_163 : vector<16xf32>
      %parallel_loop3A_165 = arith.mulf %parallel_loop3A_157, %parallel_loop3A_160 : vector<16xf32>
      %parallel_loop3A_166 = arith.addf %parallel_loop3A_164, %parallel_loop3A_165 : vector<16xf32>
      %parallel_loop3A_167 = arith.mulf %parallel_loop3A_157, %parallel_loop3A_163 : vector<16xf32>
      %parallel_loop3A_168 = arith.mulf %parallel_loop3A_154, %parallel_loop3A_160 : vector<16xf32>
      %parallel_loop3A_169 = arith.subf %parallel_loop3A_167, %parallel_loop3A_168 : vector<16xf32>
      %parallel_loop3A_170 = arith.constant 0 : i32
      %parallel_loop3A_171 = arith.addi %parallel_loop3A_151, %parallel_loop3A_170 : i32
      %parallel_loop3A_172 = vector.broadcast %parallel_loop3A_171 : i32 to vector<16xi32>
      %parallel_loop3A_173 = arith.addi %mul3A_7, %parallel_loop3A_172 : vector<16xi32>
      tpu.vector_store_idx %arg13[%parallel_loop3A_173], %parallel_loop3A_166 : memref<32768xf32, #tpu.memory_space<vmem>>[vector<16xi32>], vector<16xf32>,
      %parallel_loop3A_174 = vector.broadcast %parallel_loop3A_171 : i32 to vector<16xi32>
      %parallel_loop3A_175 = arith.addi %add3A_10, %parallel_loop3A_174 : vector<16xi32>
      tpu.vector_store_idx %arg13[%parallel_loop3A_175], %parallel_loop3A_169 : memref<32768xf32, #tpu.memory_space<vmem>>[vector<16xi32>], vector<16xf32>,
      %parallel_loop3A_176 = arith.index_cast %parallel_loop3A_143 : i32 to index
      %parallel_loop3A_177 = arith.constant 16 : index
      %parallel_loop3A_178 = tpu.vector_load %arg8[%parallel_loop3A_176, %parallel_loop3A_177] {strides = array<i32>} : memref<196x32xf32, #tpu.memory_space<vmem>>, vector<16xf32>,
      %parallel_loop3A_179 = arith.index_cast %parallel_loop3A_143 : i32 to index
      %parallel_loop3A_180 = arith.constant 16 : index
      %parallel_loop3A_181 = tpu.vector_load %arg9[%parallel_loop3A_179, %parallel_loop3A_180] {strides = array<i32>} : memref<196x32xf32, #tpu.memory_space<vmem>>, vector<16xf32>,
      %parallel_loop3A_182 = arith.index_cast %parallel_loop3A_145 : i32 to index
      %parallel_loop3A_183 = arith.constant 16 : index
      %parallel_loop3A_184 = tpu.vector_load %arg10[%parallel_loop3A_182, %parallel_loop3A_183] {strides = array<i32>} : memref<512x32xf32, #tpu.memory_space<vmem>>, vector<16xf32>,
      %parallel_loop3A_185 = arith.index_cast %parallel_loop3A_145 : i32 to index
      %parallel_loop3A_186 = arith.constant 16 : index
      %parallel_loop3A_187 = tpu.vector_load %arg11[%parallel_loop3A_185, %parallel_loop3A_186] {strides = array<i32>} : memref<512x32xf32, #tpu.memory_space<vmem>>, vector<16xf32>,
      %parallel_loop3A_188 = arith.mulf %parallel_loop3A_178, %parallel_loop3A_187 : vector<16xf32>
      %parallel_loop3A_189 = arith.mulf %parallel_loop3A_181, %parallel_loop3A_184 : vector<16xf32>
      %parallel_loop3A_190 = arith.addf %parallel_loop3A_188, %parallel_loop3A_189 : vector<16xf32>
      %parallel_loop3A_191 = arith.mulf %parallel_loop3A_181, %parallel_loop3A_187 : vector<16xf32>
      %parallel_loop3A_192 = arith.mulf %parallel_loop3A_178, %parallel_loop3A_184 : vector<16xf32>
      %parallel_loop3A_193 = arith.subf %parallel_loop3A_191, %parallel_loop3A_192 : vector<16xf32>
      %parallel_loop3A_194 = arith.constant 32 : i32
      %parallel_loop3A_195 = arith.addi %parallel_loop3A_151, %parallel_loop3A_194 : i32
      %parallel_loop3A_196 = vector.broadcast %parallel_loop3A_195 : i32 to vector<16xi32>
      %parallel_loop3A_197 = arith.addi %mul3A_7, %parallel_loop3A_196 : vector<16xi32>
      tpu.vector_store_idx %arg13[%parallel_loop3A_197], %parallel_loop3A_190 : memref<32768xf32, #tpu.memory_space<vmem>>[vector<16xi32>], vector<16xf32>,
      %parallel_loop3A_198 = vector.broadcast %parallel_loop3A_195 : i32 to vector<16xi32>
      %parallel_loop3A_199 = arith.addi %add3A_10, %parallel_loop3A_198 : vector<16xi32>
      tpu.vector_store_idx %arg13[%parallel_loop3A_199], %parallel_loop3A_193 : memref<32768xf32, #tpu.memory_space<vmem>>[vector<16xi32>], vector<16xf32>,
      %parallel_loop3A_200 = vector.extract_strided_slice %parallel_loop3A_22 {offsets = [3], sizes = [1], strides = [1]} : vector<16xi32> to vector<1xi32>
      %parallel_loop3A_201 = vector.extract %parallel_loop3A_200[0] : i32 from vector<1xi32>
      %parallel_loop3A_202 = vector.extract_strided_slice %parallel_loop3A_25 {offsets = [3], sizes = [1], strides = [1]} : vector<16xi32> to vector<1xi32>
      %parallel_loop3A_203 = vector.extract %parallel_loop3A_202[0] : i32 from vector<1xi32>
      %parallel_loop3A_204 = arith.constant 16 : i32
      %parallel_loop3A_205 = arith.muli %parallel_loop3A_15, %parallel_loop3A_204 : i32
      %parallel_loop3A_206 = arith.constant 3 : i32
      %parallel_loop3A_207 = arith.addi %parallel_loop3A_205, %parallel_loop3A_206 : i32
      %parallel_loop3A_208 = arith.constant 64 : i32
      %parallel_loop3A_209 = arith.muli %parallel_loop3A_207, %parallel_loop3A_208 : i32
      %parallel_loop3A_210 = arith.index_cast %parallel_loop3A_201 : i32 to index
      %parallel_loop3A_211 = arith.constant 0 : index
      %parallel_loop3A_212 = tpu.vector_load %arg8[%parallel_loop3A_210, %parallel_loop3A_211] {strides = array<i32>} : memref<196x32xf32, #tpu.memory_space<vmem>>, vector<16xf32>,
      %parallel_loop3A_213 = arith.index_cast %parallel_loop3A_201 : i32 to index
      %parallel_loop3A_214 = arith.constant 0 : index
      %parallel_loop3A_215 = tpu.vector_load %arg9[%parallel_loop3A_213, %parallel_loop3A_214] {strides = array<i32>} : memref<196x32xf32, #tpu.memory_space<vmem>>, vector<16xf32>,
      %parallel_loop3A_216 = arith.index_cast %parallel_loop3A_203 : i32 to index
      %parallel_loop3A_217 = arith.constant 0 : index
      %parallel_loop3A_218 = tpu.vector_load %arg10[%parallel_loop3A_216, %parallel_loop3A_217] {strides = array<i32>} : memref<512x32xf32, #tpu.memory_space<vmem>>, vector<16xf32>,
      %parallel_loop3A_219 = arith.index_cast %parallel_loop3A_203 : i32 to index
      %parallel_loop3A_220 = arith.constant 0 : index
      %parallel_loop3A_221 = tpu.vector_load %arg11[%parallel_loop3A_219, %parallel_loop3A_220] {strides = array<i32>} : memref<512x32xf32, #tpu.memory_space<vmem>>, vector<16xf32>,
      %parallel_loop3A_222 = arith.mulf %parallel_loop3A_212, %parallel_loop3A_221 : vector<16xf32>
      %parallel_loop3A_223 = arith.mulf %parallel_loop3A_215, %parallel_loop3A_218 : vector<16xf32>
      %parallel_loop3A_224 = arith.addf %parallel_loop3A_222, %parallel_loop3A_223 : vector<16xf32>
      %parallel_loop3A_225 = arith.mulf %parallel_loop3A_215, %parallel_loop3A_221 : vector<16xf32>
      %parallel_loop3A_226 = arith.mulf %parallel_loop3A_212, %parallel_loop3A_218 : vector<16xf32>
      %parallel_loop3A_227 = arith.subf %parallel_loop3A_225, %parallel_loop3A_226 : vector<16xf32>
      %parallel_loop3A_228 = arith.constant 0 : i32
      %parallel_loop3A_229 = arith.addi %parallel_loop3A_209, %parallel_loop3A_228 : i32
      %parallel_loop3A_230 = vector.broadcast %parallel_loop3A_229 : i32 to vector<16xi32>
      %parallel_loop3A_231 = arith.addi %mul3A_7, %parallel_loop3A_230 : vector<16xi32>
      tpu.vector_store_idx %arg13[%parallel_loop3A_231], %parallel_loop3A_224 : memref<32768xf32, #tpu.memory_space<vmem>>[vector<16xi32>], vector<16xf32>,
      %parallel_loop3A_232 = vector.broadcast %parallel_loop3A_229 : i32 to vector<16xi32>
      %parallel_loop3A_233 = arith.addi %add3A_10, %parallel_loop3A_232 : vector<16xi32>
      tpu.vector_store_idx %arg13[%parallel_loop3A_233], %parallel_loop3A_227 : memref<32768xf32, #tpu.memory_space<vmem>>[vector<16xi32>], vector<16xf32>,
      %parallel_loop3A_234 = arith.index_cast %parallel_loop3A_201 : i32 to index
      %parallel_loop3A_235 = arith.constant 16 : index
      %parallel_loop3A_236 = tpu.vector_load %arg8[%parallel_loop3A_234, %parallel_loop3A_235] {strides = array<i32>} : memref<196x32xf32, #tpu.memory_space<vmem>>, vector<16xf32>,
      %parallel_loop3A_237 = arith.index_cast %parallel_loop3A_201 : i32 to index
      %parallel_loop3A_238 = arith.constant 16 : index
      %parallel_loop3A_239 = tpu.vector_load %arg9[%parallel_loop3A_237, %parallel_loop3A_238] {strides = array<i32>} : memref<196x32xf32, #tpu.memory_space<vmem>>, vector<16xf32>,
      %parallel_loop3A_240 = arith.index_cast %parallel_loop3A_203 : i32 to index
      %parallel_loop3A_241 = arith.constant 16 : index
      %parallel_loop3A_242 = tpu.vector_load %arg10[%parallel_loop3A_240, %parallel_loop3A_241] {strides = array<i32>} : memref<512x32xf32, #tpu.memory_space<vmem>>, vector<16xf32>,
      %parallel_loop3A_243 = arith.index_cast %parallel_loop3A_203 : i32 to index
      %parallel_loop3A_244 = arith.constant 16 : index
      %parallel_loop3A_245 = tpu.vector_load %arg11[%parallel_loop3A_243, %parallel_loop3A_244] {strides = array<i32>} : memref<512x32xf32, #tpu.memory_space<vmem>>, vector<16xf32>,
      %parallel_loop3A_246 = arith.mulf %parallel_loop3A_236, %parallel_loop3A_245 : vector<16xf32>
      %parallel_loop3A_247 = arith.mulf %parallel_loop3A_239, %parallel_loop3A_242 : vector<16xf32>
      %parallel_loop3A_248 = arith.addf %parallel_loop3A_246, %parallel_loop3A_247 : vector<16xf32>
      %parallel_loop3A_249 = arith.mulf %parallel_loop3A_239, %parallel_loop3A_245 : vector<16xf32>
      %parallel_loop3A_250 = arith.mulf %parallel_loop3A_236, %parallel_loop3A_242 : vector<16xf32>
      %parallel_loop3A_251 = arith.subf %parallel_loop3A_249, %parallel_loop3A_250 : vector<16xf32>
      %parallel_loop3A_252 = arith.constant 32 : i32
      %parallel_loop3A_253 = arith.addi %parallel_loop3A_209, %parallel_loop3A_252 : i32
      %parallel_loop3A_254 = vector.broadcast %parallel_loop3A_253 : i32 to vector<16xi32>
      %parallel_loop3A_255 = arith.addi %mul3A_7, %parallel_loop3A_254 : vector<16xi32>
      tpu.vector_store_idx %arg13[%parallel_loop3A_255], %parallel_loop3A_248 : memref<32768xf32, #tpu.memory_space<vmem>>[vector<16xi32>], vector<16xf32>,
      %parallel_loop3A_256 = vector.broadcast %parallel_loop3A_253 : i32 to vector<16xi32>
      %parallel_loop3A_257 = arith.addi %add3A_10, %parallel_loop3A_256 : vector<16xi32>
      tpu.vector_store_idx %arg13[%parallel_loop3A_257], %parallel_loop3A_251 : memref<32768xf32, #tpu.memory_space<vmem>>[vector<16xi32>], vector<16xf32>,
      %parallel_loop3A_258 = vector.extract_strided_slice %parallel_loop3A_22 {offsets = [4], sizes = [1], strides = [1]} : vector<16xi32> to vector<1xi32>
      %parallel_loop3A_259 = vector.extract %parallel_loop3A_258[0] : i32 from vector<1xi32>
      %parallel_loop3A_260 = vector.extract_strided_slice %parallel_loop3A_25 {offsets = [4], sizes = [1], strides = [1]} : vector<16xi32> to vector<1xi32>
      %parallel_loop3A_261 = vector.extract %parallel_loop3A_260[0] : i32 from vector<1xi32>
      %parallel_loop3A_262 = arith.constant 16 : i32
      %parallel_loop3A_263 = arith.muli %parallel_loop3A_15, %parallel_loop3A_262 : i32
      %parallel_loop3A_264 = arith.constant 4 : i32
      %parallel_loop3A_265 = arith.addi %parallel_loop3A_263, %parallel_loop3A_264 : i32
      %parallel_loop3A_266 = arith.constant 64 : i32
      %parallel_loop3A_267 = arith.muli %parallel_loop3A_265, %parallel_loop3A_266 : i32
      %parallel_loop3A_268 = arith.index_cast %parallel_loop3A_259 : i32 to index
      %parallel_loop3A_269 = arith.constant 0 : index
      %parallel_loop3A_270 = tpu.vector_load %arg8[%parallel_loop3A_268, %parallel_loop3A_269] {strides = array<i32>} : memref<196x32xf32, #tpu.memory_space<vmem>>, vector<16xf32>,
      %parallel_loop3A_271 = arith.index_cast %parallel_loop3A_259 : i32 to index
      %parallel_loop3A_272 = arith.constant 0 : index
      %parallel_loop3A_273 = tpu.vector_load %arg9[%parallel_loop3A_271, %parallel_loop3A_272] {strides = array<i32>} : memref<196x32xf32, #tpu.memory_space<vmem>>, vector<16xf32>,
      %parallel_loop3A_274 = arith.index_cast %parallel_loop3A_261 : i32 to index
      %parallel_loop3A_275 = arith.constant 0 : index
      %parallel_loop3A_276 = tpu.vector_load %arg10[%parallel_loop3A_274, %parallel_loop3A_275] {strides = array<i32>} : memref<512x32xf32, #tpu.memory_space<vmem>>, vector<16xf32>,
      %parallel_loop3A_277 = arith.index_cast %parallel_loop3A_261 : i32 to index
      %parallel_loop3A_278 = arith.constant 0 : index
      %parallel_loop3A_279 = tpu.vector_load %arg11[%parallel_loop3A_277, %parallel_loop3A_278] {strides = array<i32>} : memref<512x32xf32, #tpu.memory_space<vmem>>, vector<16xf32>,
      %parallel_loop3A_280 = arith.mulf %parallel_loop3A_270, %parallel_loop3A_279 : vector<16xf32>
      %parallel_loop3A_281 = arith.mulf %parallel_loop3A_273, %parallel_loop3A_276 : vector<16xf32>
      %parallel_loop3A_282 = arith.addf %parallel_loop3A_280, %parallel_loop3A_281 : vector<16xf32>
      %parallel_loop3A_283 = arith.mulf %parallel_loop3A_273, %parallel_loop3A_279 : vector<16xf32>
      %parallel_loop3A_284 = arith.mulf %parallel_loop3A_270, %parallel_loop3A_276 : vector<16xf32>
      %parallel_loop3A_285 = arith.subf %parallel_loop3A_283, %parallel_loop3A_284 : vector<16xf32>
      %parallel_loop3A_286 = arith.constant 0 : i32
      %parallel_loop3A_287 = arith.addi %parallel_loop3A_267, %parallel_loop3A_286 : i32
      %parallel_loop3A_288 = vector.broadcast %parallel_loop3A_287 : i32 to vector<16xi32>
      %parallel_loop3A_289 = arith.addi %mul3A_7, %parallel_loop3A_288 : vector<16xi32>
      tpu.vector_store_idx %arg13[%parallel_loop3A_289], %parallel_loop3A_282 : memref<32768xf32, #tpu.memory_space<vmem>>[vector<16xi32>], vector<16xf32>,
      %parallel_loop3A_290 = vector.broadcast %parallel_loop3A_287 : i32 to vector<16xi32>
      %parallel_loop3A_291 = arith.addi %add3A_10, %parallel_loop3A_290 : vector<16xi32>
      tpu.vector_store_idx %arg13[%parallel_loop3A_291], %parallel_loop3A_285 : memref<32768xf32, #tpu.memory_space<vmem>>[vector<16xi32>], vector<16xf32>,
      %parallel_loop3A_292 = arith.index_cast %parallel_loop3A_259 : i32 to index
      %parallel_loop3A_293 = arith.constant 16 : index
      %parallel_loop3A_294 = tpu.vector_load %arg8[%parallel_loop3A_292, %parallel_loop3A_293] {strides = array<i32>} : memref<196x32xf32, #tpu.memory_space<vmem>>, vector<16xf32>,
      %parallel_loop3A_295 = arith.index_cast %parallel_loop3A_259 : i32 to index
      %parallel_loop3A_296 = arith.constant 16 : index
      %parallel_loop3A_297 = tpu.vector_load %arg9[%parallel_loop3A_295, %parallel_loop3A_296] {strides = array<i32>} : memref<196x32xf32, #tpu.memory_space<vmem>>, vector<16xf32>,
      %parallel_loop3A_298 = arith.index_cast %parallel_loop3A_261 : i32 to index
      %parallel_loop3A_299 = arith.constant 16 : index
      %parallel_loop3A_300 = tpu.vector_load %arg10[%parallel_loop3A_298, %parallel_loop3A_299] {strides = array<i32>} : memref<512x32xf32, #tpu.memory_space<vmem>>, vector<16xf32>,
      %parallel_loop3A_301 = arith.index_cast %parallel_loop3A_261 : i32 to index
      %parallel_loop3A_302 = arith.constant 16 : index
      %parallel_loop3A_303 = tpu.vector_load %arg11[%parallel_loop3A_301, %parallel_loop3A_302] {strides = array<i32>} : memref<512x32xf32, #tpu.memory_space<vmem>>, vector<16xf32>,
      %parallel_loop3A_304 = arith.mulf %parallel_loop3A_294, %parallel_loop3A_303 : vector<16xf32>
      %parallel_loop3A_305 = arith.mulf %parallel_loop3A_297, %parallel_loop3A_300 : vector<16xf32>
      %parallel_loop3A_306 = arith.addf %parallel_loop3A_304, %parallel_loop3A_305 : vector<16xf32>
      %parallel_loop3A_307 = arith.mulf %parallel_loop3A_297, %parallel_loop3A_303 : vector<16xf32>
      %parallel_loop3A_308 = arith.mulf %parallel_loop3A_294, %parallel_loop3A_300 : vector<16xf32>
      %parallel_loop3A_309 = arith.subf %parallel_loop3A_307, %parallel_loop3A_308 : vector<16xf32>
      %parallel_loop3A_310 = arith.constant 32 : i32
      %parallel_loop3A_311 = arith.addi %parallel_loop3A_267, %parallel_loop3A_310 : i32
      %parallel_loop3A_312 = vector.broadcast %parallel_loop3A_311 : i32 to vector<16xi32>
      %parallel_loop3A_313 = arith.addi %mul3A_7, %parallel_loop3A_312 : vector<16xi32>
      tpu.vector_store_idx %arg13[%parallel_loop3A_313], %parallel_loop3A_306 : memref<32768xf32, #tpu.memory_space<vmem>>[vector<16xi32>], vector<16xf32>,
      %parallel_loop3A_314 = vector.broadcast %parallel_loop3A_311 : i32 to vector<16xi32>
      %parallel_loop3A_315 = arith.addi %add3A_10, %parallel_loop3A_314 : vector<16xi32>
      tpu.vector_store_idx %arg13[%parallel_loop3A_315], %parallel_loop3A_309 : memref<32768xf32, #tpu.memory_space<vmem>>[vector<16xi32>], vector<16xf32>,
      %parallel_loop3A_316 = vector.extract_strided_slice %parallel_loop3A_22 {offsets = [5], sizes = [1], strides = [1]} : vector<16xi32> to vector<1xi32>
      %parallel_loop3A_317 = vector.extract %parallel_loop3A_316[0] : i32 from vector<1xi32>
      %parallel_loop3A_318 = vector.extract_strided_slice %parallel_loop3A_25 {offsets = [5], sizes = [1], strides = [1]} : vector<16xi32> to vector<1xi32>
      %parallel_loop3A_319 = vector.extract %parallel_loop3A_318[0] : i32 from vector<1xi32>
      %parallel_loop3A_320 = arith.constant 16 : i32
      %parallel_loop3A_321 = arith.muli %parallel_loop3A_15, %parallel_loop3A_320 : i32
      %parallel_loop3A_322 = arith.constant 5 : i32
      %parallel_loop3A_323 = arith.addi %parallel_loop3A_321, %parallel_loop3A_322 : i32
      %parallel_loop3A_324 = arith.constant 64 : i32
      %parallel_loop3A_325 = arith.muli %parallel_loop3A_323, %parallel_loop3A_324 : i32
      %parallel_loop3A_326 = arith.index_cast %parallel_loop3A_317 : i32 to index
      %parallel_loop3A_327 = arith.constant 0 : index
      %parallel_loop3A_328 = tpu.vector_load %arg8[%parallel_loop3A_326, %parallel_loop3A_327] {strides = array<i32>} : memref<196x32xf32, #tpu.memory_space<vmem>>, vector<16xf32>,
      %parallel_loop3A_329 = arith.index_cast %parallel_loop3A_317 : i32 to index
      %parallel_loop3A_330 = arith.constant 0 : index
      %parallel_loop3A_331 = tpu.vector_load %arg9[%parallel_loop3A_329, %parallel_loop3A_330] {strides = array<i32>} : memref<196x32xf32, #tpu.memory_space<vmem>>, vector<16xf32>,
      %parallel_loop3A_332 = arith.index_cast %parallel_loop3A_319 : i32 to index
      %parallel_loop3A_333 = arith.constant 0 : index
      %parallel_loop3A_334 = tpu.vector_load %arg10[%parallel_loop3A_332, %parallel_loop3A_333] {strides = array<i32>} : memref<512x32xf32, #tpu.memory_space<vmem>>, vector<16xf32>,
      %parallel_loop3A_335 = arith.index_cast %parallel_loop3A_319 : i32 to index
      %parallel_loop3A_336 = arith.constant 0 : index
      %parallel_loop3A_337 = tpu.vector_load %arg11[%parallel_loop3A_335, %parallel_loop3A_336] {strides = array<i32>} : memref<512x32xf32, #tpu.memory_space<vmem>>, vector<16xf32>,
      %parallel_loop3A_338 = arith.mulf %parallel_loop3A_328, %parallel_loop3A_337 : vector<16xf32>
      %parallel_loop3A_339 = arith.mulf %parallel_loop3A_331, %parallel_loop3A_334 : vector<16xf32>
      %parallel_loop3A_340 = arith.addf %parallel_loop3A_338, %parallel_loop3A_339 : vector<16xf32>
      %parallel_loop3A_341 = arith.mulf %parallel_loop3A_331, %parallel_loop3A_337 : vector<16xf32>
      %parallel_loop3A_342 = arith.mulf %parallel_loop3A_328, %parallel_loop3A_334 : vector<16xf32>
      %parallel_loop3A_343 = arith.subf %parallel_loop3A_341, %parallel_loop3A_342 : vector<16xf32>
      %parallel_loop3A_344 = arith.constant 0 : i32
      %parallel_loop3A_345 = arith.addi %parallel_loop3A_325, %parallel_loop3A_344 : i32
      %parallel_loop3A_346 = vector.broadcast %parallel_loop3A_345 : i32 to vector<16xi32>
      %parallel_loop3A_347 = arith.addi %mul3A_7, %parallel_loop3A_346 : vector<16xi32>
      tpu.vector_store_idx %arg13[%parallel_loop3A_347], %parallel_loop3A_340 : memref<32768xf32, #tpu.memory_space<vmem>>[vector<16xi32>], vector<16xf32>,
      %parallel_loop3A_348 = vector.broadcast %parallel_loop3A_345 : i32 to vector<16xi32>
      %parallel_loop3A_349 = arith.addi %add3A_10, %parallel_loop3A_348 : vector<16xi32>
      tpu.vector_store_idx %arg13[%parallel_loop3A_349], %parallel_loop3A_343 : memref<32768xf32, #tpu.memory_space<vmem>>[vector<16xi32>], vector<16xf32>,
      %parallel_loop3A_350 = arith.index_cast %parallel_loop3A_317 : i32 to index
      %parallel_loop3A_351 = arith.constant 16 : index
      %parallel_loop3A_352 = tpu.vector_load %arg8[%parallel_loop3A_350, %parallel_loop3A_351] {strides = array<i32>} : memref<196x32xf32, #tpu.memory_space<vmem>>, vector<16xf32>,
      %parallel_loop3A_353 = arith.index_cast %parallel_loop3A_317 : i32 to index
      %parallel_loop3A_354 = arith.constant 16 : index
      %parallel_loop3A_355 = tpu.vector_load %arg9[%parallel_loop3A_353, %parallel_loop3A_354] {strides = array<i32>} : memref<196x32xf32, #tpu.memory_space<vmem>>, vector<16xf32>,
      %parallel_loop3A_356 = arith.index_cast %parallel_loop3A_319 : i32 to index
      %parallel_loop3A_357 = arith.constant 16 : index
      %parallel_loop3A_358 = tpu.vector_load %arg10[%parallel_loop3A_356, %parallel_loop3A_357] {strides = array<i32>} : memref<512x32xf32, #tpu.memory_space<vmem>>, vector<16xf32>,
      %parallel_loop3A_359 = arith.index_cast %parallel_loop3A_319 : i32 to index
      %parallel_loop3A_360 = arith.constant 16 : index
      %parallel_loop3A_361 = tpu.vector_load %arg11[%parallel_loop3A_359, %parallel_loop3A_360] {strides = array<i32>} : memref<512x32xf32, #tpu.memory_space<vmem>>, vector<16xf32>,
      %parallel_loop3A_362 = arith.mulf %parallel_loop3A_352, %parallel_loop3A_361 : vector<16xf32>
      %parallel_loop3A_363 = arith.mulf %parallel_loop3A_355, %parallel_loop3A_358 : vector<16xf32>
      %parallel_loop3A_364 = arith.addf %parallel_loop3A_362, %parallel_loop3A_363 : vector<16xf32>
      %parallel_loop3A_365 = arith.mulf %parallel_loop3A_355, %parallel_loop3A_361 : vector<16xf32>
      %parallel_loop3A_366 = arith.mulf %parallel_loop3A_352, %parallel_loop3A_358 : vector<16xf32>
      %parallel_loop3A_367 = arith.subf %parallel_loop3A_365, %parallel_loop3A_366 : vector<16xf32>
      %parallel_loop3A_368 = arith.constant 32 : i32
      %parallel_loop3A_369 = arith.addi %parallel_loop3A_325, %parallel_loop3A_368 : i32
      %parallel_loop3A_370 = vector.broadcast %parallel_loop3A_369 : i32 to vector<16xi32>
      %parallel_loop3A_371 = arith.addi %mul3A_7, %parallel_loop3A_370 : vector<16xi32>
      tpu.vector_store_idx %arg13[%parallel_loop3A_371], %parallel_loop3A_364 : memref<32768xf32, #tpu.memory_space<vmem>>[vector<16xi32>], vector<16xf32>,
      %parallel_loop3A_372 = vector.broadcast %parallel_loop3A_369 : i32 to vector<16xi32>
      %parallel_loop3A_373 = arith.addi %add3A_10, %parallel_loop3A_372 : vector<16xi32>
      tpu.vector_store_idx %arg13[%parallel_loop3A_373], %parallel_loop3A_367 : memref<32768xf32, #tpu.memory_space<vmem>>[vector<16xi32>], vector<16xf32>,
      %parallel_loop3A_374 = vector.extract_strided_slice %parallel_loop3A_22 {offsets = [6], sizes = [1], strides = [1]} : vector<16xi32> to vector<1xi32>
      %parallel_loop3A_375 = vector.extract %parallel_loop3A_374[0] : i32 from vector<1xi32>
      %parallel_loop3A_376 = vector.extract_strided_slice %parallel_loop3A_25 {offsets = [6], sizes = [1], strides = [1]} : vector<16xi32> to vector<1xi32>
      %parallel_loop3A_377 = vector.extract %parallel_loop3A_376[0] : i32 from vector<1xi32>
      %parallel_loop3A_378 = arith.constant 16 : i32
      %parallel_loop3A_379 = arith.muli %parallel_loop3A_15, %parallel_loop3A_378 : i32
      %parallel_loop3A_380 = arith.constant 6 : i32
      %parallel_loop3A_381 = arith.addi %parallel_loop3A_379, %parallel_loop3A_380 : i32
      %parallel_loop3A_382 = arith.constant 64 : i32
      %parallel_loop3A_383 = arith.muli %parallel_loop3A_381, %parallel_loop3A_382 : i32
      %parallel_loop3A_384 = arith.index_cast %parallel_loop3A_375 : i32 to index
      %parallel_loop3A_385 = arith.constant 0 : index
      %parallel_loop3A_386 = tpu.vector_load %arg8[%parallel_loop3A_384, %parallel_loop3A_385] {strides = array<i32>} : memref<196x32xf32, #tpu.memory_space<vmem>>, vector<16xf32>,
      %parallel_loop3A_387 = arith.index_cast %parallel_loop3A_375 : i32 to index
      %parallel_loop3A_388 = arith.constant 0 : index
      %parallel_loop3A_389 = tpu.vector_load %arg9[%parallel_loop3A_387, %parallel_loop3A_388] {strides = array<i32>} : memref<196x32xf32, #tpu.memory_space<vmem>>, vector<16xf32>,
      %parallel_loop3A_390 = arith.index_cast %parallel_loop3A_377 : i32 to index
      %parallel_loop3A_391 = arith.constant 0 : index
      %parallel_loop3A_392 = tpu.vector_load %arg10[%parallel_loop3A_390, %parallel_loop3A_391] {strides = array<i32>} : memref<512x32xf32, #tpu.memory_space<vmem>>, vector<16xf32>,
      %parallel_loop3A_393 = arith.index_cast %parallel_loop3A_377 : i32 to index
      %parallel_loop3A_394 = arith.constant 0 : index
      %parallel_loop3A_395 = tpu.vector_load %arg11[%parallel_loop3A_393, %parallel_loop3A_394] {strides = array<i32>} : memref<512x32xf32, #tpu.memory_space<vmem>>, vector<16xf32>,
      %parallel_loop3A_396 = arith.mulf %parallel_loop3A_386, %parallel_loop3A_395 : vector<16xf32>
      %parallel_loop3A_397 = arith.mulf %parallel_loop3A_389, %parallel_loop3A_392 : vector<16xf32>
      %parallel_loop3A_398 = arith.addf %parallel_loop3A_396, %parallel_loop3A_397 : vector<16xf32>
      %parallel_loop3A_399 = arith.mulf %parallel_loop3A_389, %parallel_loop3A_395 : vector<16xf32>
      %parallel_loop3A_400 = arith.mulf %parallel_loop3A_386, %parallel_loop3A_392 : vector<16xf32>
      %parallel_loop3A_401 = arith.subf %parallel_loop3A_399, %parallel_loop3A_400 : vector<16xf32>
      %parallel_loop3A_402 = arith.constant 0 : i32
      %parallel_loop3A_403 = arith.addi %parallel_loop3A_383, %parallel_loop3A_402 : i32
      %parallel_loop3A_404 = vector.broadcast %parallel_loop3A_403 : i32 to vector<16xi32>
      %parallel_loop3A_405 = arith.addi %mul3A_7, %parallel_loop3A_404 : vector<16xi32>
      tpu.vector_store_idx %arg13[%parallel_loop3A_405], %parallel_loop3A_398 : memref<32768xf32, #tpu.memory_space<vmem>>[vector<16xi32>], vector<16xf32>,
      %parallel_loop3A_406 = vector.broadcast %parallel_loop3A_403 : i32 to vector<16xi32>
      %parallel_loop3A_407 = arith.addi %add3A_10, %parallel_loop3A_406 : vector<16xi32>
      tpu.vector_store_idx %arg13[%parallel_loop3A_407], %parallel_loop3A_401 : memref<32768xf32, #tpu.memory_space<vmem>>[vector<16xi32>], vector<16xf32>,
      %parallel_loop3A_408 = arith.index_cast %parallel_loop3A_375 : i32 to index
      %parallel_loop3A_409 = arith.constant 16 : index
      %parallel_loop3A_410 = tpu.vector_load %arg8[%parallel_loop3A_408, %parallel_loop3A_409] {strides = array<i32>} : memref<196x32xf32, #tpu.memory_space<vmem>>, vector<16xf32>,
      %parallel_loop3A_411 = arith.index_cast %parallel_loop3A_375 : i32 to index
      %parallel_loop3A_412 = arith.constant 16 : index
      %parallel_loop3A_413 = tpu.vector_load %arg9[%parallel_loop3A_411, %parallel_loop3A_412] {strides = array<i32>} : memref<196x32xf32, #tpu.memory_space<vmem>>, vector<16xf32>,
      %parallel_loop3A_414 = arith.index_cast %parallel_loop3A_377 : i32 to index
      %parallel_loop3A_415 = arith.constant 16 : index
      %parallel_loop3A_416 = tpu.vector_load %arg10[%parallel_loop3A_414, %parallel_loop3A_415] {strides = array<i32>} : memref<512x32xf32, #tpu.memory_space<vmem>>, vector<16xf32>,
      %parallel_loop3A_417 = arith.index_cast %parallel_loop3A_377 : i32 to index
      %parallel_loop3A_418 = arith.constant 16 : index
      %parallel_loop3A_419 = tpu.vector_load %arg11[%parallel_loop3A_417, %parallel_loop3A_418] {strides = array<i32>} : memref<512x32xf32, #tpu.memory_space<vmem>>, vector<16xf32>,
      %parallel_loop3A_420 = arith.mulf %parallel_loop3A_410, %parallel_loop3A_419 : vector<16xf32>
      %parallel_loop3A_421 = arith.mulf %parallel_loop3A_413, %parallel_loop3A_416 : vector<16xf32>
      %parallel_loop3A_422 = arith.addf %parallel_loop3A_420, %parallel_loop3A_421 : vector<16xf32>
      %parallel_loop3A_423 = arith.mulf %parallel_loop3A_413, %parallel_loop3A_419 : vector<16xf32>
      %parallel_loop3A_424 = arith.mulf %parallel_loop3A_410, %parallel_loop3A_416 : vector<16xf32>
      %parallel_loop3A_425 = arith.subf %parallel_loop3A_423, %parallel_loop3A_424 : vector<16xf32>
      %parallel_loop3A_426 = arith.constant 32 : i32
      %parallel_loop3A_427 = arith.addi %parallel_loop3A_383, %parallel_loop3A_426 : i32
      %parallel_loop3A_428 = vector.broadcast %parallel_loop3A_427 : i32 to vector<16xi32>
      %parallel_loop3A_429 = arith.addi %mul3A_7, %parallel_loop3A_428 : vector<16xi32>
      tpu.vector_store_idx %arg13[%parallel_loop3A_429], %parallel_loop3A_422 : memref<32768xf32, #tpu.memory_space<vmem>>[vector<16xi32>], vector<16xf32>,
      %parallel_loop3A_430 = vector.broadcast %parallel_loop3A_427 : i32 to vector<16xi32>
      %parallel_loop3A_431 = arith.addi %add3A_10, %parallel_loop3A_430 : vector<16xi32>
      tpu.vector_store_idx %arg13[%parallel_loop3A_431], %parallel_loop3A_425 : memref<32768xf32, #tpu.memory_space<vmem>>[vector<16xi32>], vector<16xf32>,
      %parallel_loop3A_432 = vector.extract_strided_slice %parallel_loop3A_22 {offsets = [7], sizes = [1], strides = [1]} : vector<16xi32> to vector<1xi32>
      %parallel_loop3A_433 = vector.extract %parallel_loop3A_432[0] : i32 from vector<1xi32>
      %parallel_loop3A_434 = vector.extract_strided_slice %parallel_loop3A_25 {offsets = [7], sizes = [1], strides = [1]} : vector<16xi32> to vector<1xi32>
      %parallel_loop3A_435 = vector.extract %parallel_loop3A_434[0] : i32 from vector<1xi32>
      %parallel_loop3A_436 = arith.constant 16 : i32
      %parallel_loop3A_437 = arith.muli %parallel_loop3A_15, %parallel_loop3A_436 : i32
      %parallel_loop3A_438 = arith.constant 7 : i32
      %parallel_loop3A_439 = arith.addi %parallel_loop3A_437, %parallel_loop3A_438 : i32
      %parallel_loop3A_440 = arith.constant 64 : i32
      %parallel_loop3A_441 = arith.muli %parallel_loop3A_439, %parallel_loop3A_440 : i32
      %parallel_loop3A_442 = arith.index_cast %parallel_loop3A_433 : i32 to index
      %parallel_loop3A_443 = arith.constant 0 : index
      %parallel_loop3A_444 = tpu.vector_load %arg8[%parallel_loop3A_442, %parallel_loop3A_443] {strides = array<i32>} : memref<196x32xf32, #tpu.memory_space<vmem>>, vector<16xf32>,
      %parallel_loop3A_445 = arith.index_cast %parallel_loop3A_433 : i32 to index
      %parallel_loop3A_446 = arith.constant 0 : index
      %parallel_loop3A_447 = tpu.vector_load %arg9[%parallel_loop3A_445, %parallel_loop3A_446] {strides = array<i32>} : memref<196x32xf32, #tpu.memory_space<vmem>>, vector<16xf32>,
      %parallel_loop3A_448 = arith.index_cast %parallel_loop3A_435 : i32 to index
      %parallel_loop3A_449 = arith.constant 0 : index
      %parallel_loop3A_450 = tpu.vector_load %arg10[%parallel_loop3A_448, %parallel_loop3A_449] {strides = array<i32>} : memref<512x32xf32, #tpu.memory_space<vmem>>, vector<16xf32>,
      %parallel_loop3A_451 = arith.index_cast %parallel_loop3A_435 : i32 to index
      %parallel_loop3A_452 = arith.constant 0 : index
      %parallel_loop3A_453 = tpu.vector_load %arg11[%parallel_loop3A_451, %parallel_loop3A_452] {strides = array<i32>} : memref<512x32xf32, #tpu.memory_space<vmem>>, vector<16xf32>,
      %parallel_loop3A_454 = arith.mulf %parallel_loop3A_444, %parallel_loop3A_453 : vector<16xf32>
      %parallel_loop3A_455 = arith.mulf %parallel_loop3A_447, %parallel_loop3A_450 : vector<16xf32>
      %parallel_loop3A_456 = arith.addf %parallel_loop3A_454, %parallel_loop3A_455 : vector<16xf32>
      %parallel_loop3A_457 = arith.mulf %parallel_loop3A_447, %parallel_loop3A_453 : vector<16xf32>
      %parallel_loop3A_458 = arith.mulf %parallel_loop3A_444, %parallel_loop3A_450 : vector<16xf32>
      %parallel_loop3A_459 = arith.subf %parallel_loop3A_457, %parallel_loop3A_458 : vector<16xf32>
      %parallel_loop3A_460 = arith.constant 0 : i32
      %parallel_loop3A_461 = arith.addi %parallel_loop3A_441, %parallel_loop3A_460 : i32
      %parallel_loop3A_462 = vector.broadcast %parallel_loop3A_461 : i32 to vector<16xi32>
      %parallel_loop3A_463 = arith.addi %mul3A_7, %parallel_loop3A_462 : vector<16xi32>
      tpu.vector_store_idx %arg13[%parallel_loop3A_463], %parallel_loop3A_456 : memref<32768xf32, #tpu.memory_space<vmem>>[vector<16xi32>], vector<16xf32>,
      %parallel_loop3A_464 = vector.broadcast %parallel_loop3A_461 : i32 to vector<16xi32>
      %parallel_loop3A_465 = arith.addi %add3A_10, %parallel_loop3A_464 : vector<16xi32>
      tpu.vector_store_idx %arg13[%parallel_loop3A_465], %parallel_loop3A_459 : memref<32768xf32, #tpu.memory_space<vmem>>[vector<16xi32>], vector<16xf32>,
      %parallel_loop3A_466 = arith.index_cast %parallel_loop3A_433 : i32 to index
      %parallel_loop3A_467 = arith.constant 16 : index
      %parallel_loop3A_468 = tpu.vector_load %arg8[%parallel_loop3A_466, %parallel_loop3A_467] {strides = array<i32>} : memref<196x32xf32, #tpu.memory_space<vmem>>, vector<16xf32>,
      %parallel_loop3A_469 = arith.index_cast %parallel_loop3A_433 : i32 to index
      %parallel_loop3A_470 = arith.constant 16 : index
      %parallel_loop3A_471 = tpu.vector_load %arg9[%parallel_loop3A_469, %parallel_loop3A_470] {strides = array<i32>} : memref<196x32xf32, #tpu.memory_space<vmem>>, vector<16xf32>,
      %parallel_loop3A_472 = arith.index_cast %parallel_loop3A_435 : i32 to index
      %parallel_loop3A_473 = arith.constant 16 : index
      %parallel_loop3A_474 = tpu.vector_load %arg10[%parallel_loop3A_472, %parallel_loop3A_473] {strides = array<i32>} : memref<512x32xf32, #tpu.memory_space<vmem>>, vector<16xf32>,
      %parallel_loop3A_475 = arith.index_cast %parallel_loop3A_435 : i32 to index
      %parallel_loop3A_476 = arith.constant 16 : index
      %parallel_loop3A_477 = tpu.vector_load %arg11[%parallel_loop3A_475, %parallel_loop3A_476] {strides = array<i32>} : memref<512x32xf32, #tpu.memory_space<vmem>>, vector<16xf32>,
      %parallel_loop3A_478 = arith.mulf %parallel_loop3A_468, %parallel_loop3A_477 : vector<16xf32>
      %parallel_loop3A_479 = arith.mulf %parallel_loop3A_471, %parallel_loop3A_474 : vector<16xf32>
      %parallel_loop3A_480 = arith.addf %parallel_loop3A_478, %parallel_loop3A_479 : vector<16xf32>
      %parallel_loop3A_481 = arith.mulf %parallel_loop3A_471, %parallel_loop3A_477 : vector<16xf32>
      %parallel_loop3A_482 = arith.mulf %parallel_loop3A_468, %parallel_loop3A_474 : vector<16xf32>
      %parallel_loop3A_483 = arith.subf %parallel_loop3A_481, %parallel_loop3A_482 : vector<16xf32>
      %parallel_loop3A_484 = arith.constant 32 : i32
      %parallel_loop3A_485 = arith.addi %parallel_loop3A_441, %parallel_loop3A_484 : i32
      %parallel_loop3A_486 = vector.broadcast %parallel_loop3A_485 : i32 to vector<16xi32>
      %parallel_loop3A_487 = arith.addi %mul3A_7, %parallel_loop3A_486 : vector<16xi32>
      tpu.vector_store_idx %arg13[%parallel_loop3A_487], %parallel_loop3A_480 : memref<32768xf32, #tpu.memory_space<vmem>>[vector<16xi32>], vector<16xf32>,
      %parallel_loop3A_488 = vector.broadcast %parallel_loop3A_485 : i32 to vector<16xi32>
      %parallel_loop3A_489 = arith.addi %add3A_10, %parallel_loop3A_488 : vector<16xi32>
      tpu.vector_store_idx %arg13[%parallel_loop3A_489], %parallel_loop3A_483 : memref<32768xf32, #tpu.memory_space<vmem>>[vector<16xi32>], vector<16xf32>,
      %parallel_loop3A_490 = vector.extract_strided_slice %parallel_loop3A_22 {offsets = [8], sizes = [1], strides = [1]} : vector<16xi32> to vector<1xi32>
      %parallel_loop3A_491 = vector.extract %parallel_loop3A_490[0] : i32 from vector<1xi32>
      %parallel_loop3A_492 = vector.extract_strided_slice %parallel_loop3A_25 {offsets = [8], sizes = [1], strides = [1]} : vector<16xi32> to vector<1xi32>
      %parallel_loop3A_493 = vector.extract %parallel_loop3A_492[0] : i32 from vector<1xi32>
      %parallel_loop3A_494 = arith.constant 16 : i32
      %parallel_loop3A_495 = arith.muli %parallel_loop3A_15, %parallel_loop3A_494 : i32
      %parallel_loop3A_496 = arith.constant 8 : i32
      %parallel_loop3A_497 = arith.addi %parallel_loop3A_495, %parallel_loop3A_496 : i32
      %parallel_loop3A_498 = arith.constant 64 : i32
      %parallel_loop3A_499 = arith.muli %parallel_loop3A_497, %parallel_loop3A_498 : i32
      %parallel_loop3A_500 = arith.index_cast %parallel_loop3A_491 : i32 to index
      %parallel_loop3A_501 = arith.constant 0 : index
      %parallel_loop3A_502 = tpu.vector_load %arg8[%parallel_loop3A_500, %parallel_loop3A_501] {strides = array<i32>} : memref<196x32xf32, #tpu.memory_space<vmem>>, vector<16xf32>,
      %parallel_loop3A_503 = arith.index_cast %parallel_loop3A_491 : i32 to index
      %parallel_loop3A_504 = arith.constant 0 : index
      %parallel_loop3A_505 = tpu.vector_load %arg9[%parallel_loop3A_503, %parallel_loop3A_504] {strides = array<i32>} : memref<196x32xf32, #tpu.memory_space<vmem>>, vector<16xf32>,
      %parallel_loop3A_506 = arith.index_cast %parallel_loop3A_493 : i32 to index
      %parallel_loop3A_507 = arith.constant 0 : index
      %parallel_loop3A_508 = tpu.vector_load %arg10[%parallel_loop3A_506, %parallel_loop3A_507] {strides = array<i32>} : memref<512x32xf32, #tpu.memory_space<vmem>>, vector<16xf32>,
      %parallel_loop3A_509 = arith.index_cast %parallel_loop3A_493 : i32 to index
      %parallel_loop3A_510 = arith.constant 0 : index
      %parallel_loop3A_511 = tpu.vector_load %arg11[%parallel_loop3A_509, %parallel_loop3A_510] {strides = array<i32>} : memref<512x32xf32, #tpu.memory_space<vmem>>, vector<16xf32>,
      %parallel_loop3A_512 = arith.mulf %parallel_loop3A_502, %parallel_loop3A_511 : vector<16xf32>
      %parallel_loop3A_513 = arith.mulf %parallel_loop3A_505, %parallel_loop3A_508 : vector<16xf32>
      %parallel_loop3A_514 = arith.addf %parallel_loop3A_512, %parallel_loop3A_513 : vector<16xf32>
      %parallel_loop3A_515 = arith.mulf %parallel_loop3A_505, %parallel_loop3A_511 : vector<16xf32>
      %parallel_loop3A_516 = arith.mulf %parallel_loop3A_502, %parallel_loop3A_508 : vector<16xf32>
      %parallel_loop3A_517 = arith.subf %parallel_loop3A_515, %parallel_loop3A_516 : vector<16xf32>
      %parallel_loop3A_518 = arith.constant 0 : i32
      %parallel_loop3A_519 = arith.addi %parallel_loop3A_499, %parallel_loop3A_518 : i32
      %parallel_loop3A_520 = vector.broadcast %parallel_loop3A_519 : i32 to vector<16xi32>
      %parallel_loop3A_521 = arith.addi %mul3A_7, %parallel_loop3A_520 : vector<16xi32>
      tpu.vector_store_idx %arg13[%parallel_loop3A_521], %parallel_loop3A_514 : memref<32768xf32, #tpu.memory_space<vmem>>[vector<16xi32>], vector<16xf32>,
      %parallel_loop3A_522 = vector.broadcast %parallel_loop3A_519 : i32 to vector<16xi32>
      %parallel_loop3A_523 = arith.addi %add3A_10, %parallel_loop3A_522 : vector<16xi32>
      tpu.vector_store_idx %arg13[%parallel_loop3A_523], %parallel_loop3A_517 : memref<32768xf32, #tpu.memory_space<vmem>>[vector<16xi32>], vector<16xf32>,
      %parallel_loop3A_524 = arith.index_cast %parallel_loop3A_491 : i32 to index
      %parallel_loop3A_525 = arith.constant 16 : index
      %parallel_loop3A_526 = tpu.vector_load %arg8[%parallel_loop3A_524, %parallel_loop3A_525] {strides = array<i32>} : memref<196x32xf32, #tpu.memory_space<vmem>>, vector<16xf32>,
      %parallel_loop3A_527 = arith.index_cast %parallel_loop3A_491 : i32 to index
      %parallel_loop3A_528 = arith.constant 16 : index
      %parallel_loop3A_529 = tpu.vector_load %arg9[%parallel_loop3A_527, %parallel_loop3A_528] {strides = array<i32>} : memref<196x32xf32, #tpu.memory_space<vmem>>, vector<16xf32>,
      %parallel_loop3A_530 = arith.index_cast %parallel_loop3A_493 : i32 to index
      %parallel_loop3A_531 = arith.constant 16 : index
      %parallel_loop3A_532 = tpu.vector_load %arg10[%parallel_loop3A_530, %parallel_loop3A_531] {strides = array<i32>} : memref<512x32xf32, #tpu.memory_space<vmem>>, vector<16xf32>,
      %parallel_loop3A_533 = arith.index_cast %parallel_loop3A_493 : i32 to index
      %parallel_loop3A_534 = arith.constant 16 : index
      %parallel_loop3A_535 = tpu.vector_load %arg11[%parallel_loop3A_533, %parallel_loop3A_534] {strides = array<i32>} : memref<512x32xf32, #tpu.memory_space<vmem>>, vector<16xf32>,
      %parallel_loop3A_536 = arith.mulf %parallel_loop3A_526, %parallel_loop3A_535 : vector<16xf32>
      %parallel_loop3A_537 = arith.mulf %parallel_loop3A_529, %parallel_loop3A_532 : vector<16xf32>
      %parallel_loop3A_538 = arith.addf %parallel_loop3A_536, %parallel_loop3A_537 : vector<16xf32>
      %parallel_loop3A_539 = arith.mulf %parallel_loop3A_529, %parallel_loop3A_535 : vector<16xf32>
      %parallel_loop3A_540 = arith.mulf %parallel_loop3A_526, %parallel_loop3A_532 : vector<16xf32>
      %parallel_loop3A_541 = arith.subf %parallel_loop3A_539, %parallel_loop3A_540 : vector<16xf32>
      %parallel_loop3A_542 = arith.constant 32 : i32
      %parallel_loop3A_543 = arith.addi %parallel_loop3A_499, %parallel_loop3A_542 : i32
      %parallel_loop3A_544 = vector.broadcast %parallel_loop3A_543 : i32 to vector<16xi32>
      %parallel_loop3A_545 = arith.addi %mul3A_7, %parallel_loop3A_544 : vector<16xi32>
      tpu.vector_store_idx %arg13[%parallel_loop3A_545], %parallel_loop3A_538 : memref<32768xf32, #tpu.memory_space<vmem>>[vector<16xi32>], vector<16xf32>,
      %parallel_loop3A_546 = vector.broadcast %parallel_loop3A_543 : i32 to vector<16xi32>
      %parallel_loop3A_547 = arith.addi %add3A_10, %parallel_loop3A_546 : vector<16xi32>
      tpu.vector_store_idx %arg13[%parallel_loop3A_547], %parallel_loop3A_541 : memref<32768xf32, #tpu.memory_space<vmem>>[vector<16xi32>], vector<16xf32>,
      %parallel_loop3A_548 = vector.extract_strided_slice %parallel_loop3A_22 {offsets = [9], sizes = [1], strides = [1]} : vector<16xi32> to vector<1xi32>
      %parallel_loop3A_549 = vector.extract %parallel_loop3A_548[0] : i32 from vector<1xi32>
      %parallel_loop3A_550 = vector.extract_strided_slice %parallel_loop3A_25 {offsets = [9], sizes = [1], strides = [1]} : vector<16xi32> to vector<1xi32>
      %parallel_loop3A_551 = vector.extract %parallel_loop3A_550[0] : i32 from vector<1xi32>
      %parallel_loop3A_552 = arith.constant 16 : i32
      %parallel_loop3A_553 = arith.muli %parallel_loop3A_15, %parallel_loop3A_552 : i32
      %parallel_loop3A_554 = arith.constant 9 : i32
      %parallel_loop3A_555 = arith.addi %parallel_loop3A_553, %parallel_loop3A_554 : i32
      %parallel_loop3A_556 = arith.constant 64 : i32
      %parallel_loop3A_557 = arith.muli %parallel_loop3A_555, %parallel_loop3A_556 : i32
      %parallel_loop3A_558 = arith.index_cast %parallel_loop3A_549 : i32 to index
      %parallel_loop3A_559 = arith.constant 0 : index
      %parallel_loop3A_560 = tpu.vector_load %arg8[%parallel_loop3A_558, %parallel_loop3A_559] {strides = array<i32>} : memref<196x32xf32, #tpu.memory_space<vmem>>, vector<16xf32>,
      %parallel_loop3A_561 = arith.index_cast %parallel_loop3A_549 : i32 to index
      %parallel_loop3A_562 = arith.constant 0 : index
      %parallel_loop3A_563 = tpu.vector_load %arg9[%parallel_loop3A_561, %parallel_loop3A_562] {strides = array<i32>} : memref<196x32xf32, #tpu.memory_space<vmem>>, vector<16xf32>,
      %parallel_loop3A_564 = arith.index_cast %parallel_loop3A_551 : i32 to index
      %parallel_loop3A_565 = arith.constant 0 : index
      %parallel_loop3A_566 = tpu.vector_load %arg10[%parallel_loop3A_564, %parallel_loop3A_565] {strides = array<i32>} : memref<512x32xf32, #tpu.memory_space<vmem>>, vector<16xf32>,
      %parallel_loop3A_567 = arith.index_cast %parallel_loop3A_551 : i32 to index
      %parallel_loop3A_568 = arith.constant 0 : index
      %parallel_loop3A_569 = tpu.vector_load %arg11[%parallel_loop3A_567, %parallel_loop3A_568] {strides = array<i32>} : memref<512x32xf32, #tpu.memory_space<vmem>>, vector<16xf32>,
      %parallel_loop3A_570 = arith.mulf %parallel_loop3A_560, %parallel_loop3A_569 : vector<16xf32>
      %parallel_loop3A_571 = arith.mulf %parallel_loop3A_563, %parallel_loop3A_566 : vector<16xf32>
      %parallel_loop3A_572 = arith.addf %parallel_loop3A_570, %parallel_loop3A_571 : vector<16xf32>
      %parallel_loop3A_573 = arith.mulf %parallel_loop3A_563, %parallel_loop3A_569 : vector<16xf32>
      %parallel_loop3A_574 = arith.mulf %parallel_loop3A_560, %parallel_loop3A_566 : vector<16xf32>
      %parallel_loop3A_575 = arith.subf %parallel_loop3A_573, %parallel_loop3A_574 : vector<16xf32>
      %parallel_loop3A_576 = arith.constant 0 : i32
      %parallel_loop3A_577 = arith.addi %parallel_loop3A_557, %parallel_loop3A_576 : i32
      %parallel_loop3A_578 = vector.broadcast %parallel_loop3A_577 : i32 to vector<16xi32>
      %parallel_loop3A_579 = arith.addi %mul3A_7, %parallel_loop3A_578 : vector<16xi32>
      tpu.vector_store_idx %arg13[%parallel_loop3A_579], %parallel_loop3A_572 : memref<32768xf32, #tpu.memory_space<vmem>>[vector<16xi32>], vector<16xf32>,
      %parallel_loop3A_580 = vector.broadcast %parallel_loop3A_577 : i32 to vector<16xi32>
      %parallel_loop3A_581 = arith.addi %add3A_10, %parallel_loop3A_580 : vector<16xi32>
      tpu.vector_store_idx %arg13[%parallel_loop3A_581], %parallel_loop3A_575 : memref<32768xf32, #tpu.memory_space<vmem>>[vector<16xi32>], vector<16xf32>,
      %parallel_loop3A_582 = arith.index_cast %parallel_loop3A_549 : i32 to index
      %parallel_loop3A_583 = arith.constant 16 : index
      %parallel_loop3A_584 = tpu.vector_load %arg8[%parallel_loop3A_582, %parallel_loop3A_583] {strides = array<i32>} : memref<196x32xf32, #tpu.memory_space<vmem>>, vector<16xf32>,
      %parallel_loop3A_585 = arith.index_cast %parallel_loop3A_549 : i32 to index
      %parallel_loop3A_586 = arith.constant 16 : index
      %parallel_loop3A_587 = tpu.vector_load %arg9[%parallel_loop3A_585, %parallel_loop3A_586] {strides = array<i32>} : memref<196x32xf32, #tpu.memory_space<vmem>>, vector<16xf32>,
      %parallel_loop3A_588 = arith.index_cast %parallel_loop3A_551 : i32 to index
      %parallel_loop3A_589 = arith.constant 16 : index
      %parallel_loop3A_590 = tpu.vector_load %arg10[%parallel_loop3A_588, %parallel_loop3A_589] {strides = array<i32>} : memref<512x32xf32, #tpu.memory_space<vmem>>, vector<16xf32>,
      %parallel_loop3A_591 = arith.index_cast %parallel_loop3A_551 : i32 to index
      %parallel_loop3A_592 = arith.constant 16 : index
      %parallel_loop3A_593 = tpu.vector_load %arg11[%parallel_loop3A_591, %parallel_loop3A_592] {strides = array<i32>} : memref<512x32xf32, #tpu.memory_space<vmem>>, vector<16xf32>,
      %parallel_loop3A_594 = arith.mulf %parallel_loop3A_584, %parallel_loop3A_593 : vector<16xf32>
      %parallel_loop3A_595 = arith.mulf %parallel_loop3A_587, %parallel_loop3A_590 : vector<16xf32>
      %parallel_loop3A_596 = arith.addf %parallel_loop3A_594, %parallel_loop3A_595 : vector<16xf32>
      %parallel_loop3A_597 = arith.mulf %parallel_loop3A_587, %parallel_loop3A_593 : vector<16xf32>
      %parallel_loop3A_598 = arith.mulf %parallel_loop3A_584, %parallel_loop3A_590 : vector<16xf32>
      %parallel_loop3A_599 = arith.subf %parallel_loop3A_597, %parallel_loop3A_598 : vector<16xf32>
      %parallel_loop3A_600 = arith.constant 32 : i32
      %parallel_loop3A_601 = arith.addi %parallel_loop3A_557, %parallel_loop3A_600 : i32
      %parallel_loop3A_602 = vector.broadcast %parallel_loop3A_601 : i32 to vector<16xi32>
      %parallel_loop3A_603 = arith.addi %mul3A_7, %parallel_loop3A_602 : vector<16xi32>
      tpu.vector_store_idx %arg13[%parallel_loop3A_603], %parallel_loop3A_596 : memref<32768xf32, #tpu.memory_space<vmem>>[vector<16xi32>], vector<16xf32>,
      %parallel_loop3A_604 = vector.broadcast %parallel_loop3A_601 : i32 to vector<16xi32>
      %parallel_loop3A_605 = arith.addi %add3A_10, %parallel_loop3A_604 : vector<16xi32>
      tpu.vector_store_idx %arg13[%parallel_loop3A_605], %parallel_loop3A_599 : memref<32768xf32, #tpu.memory_space<vmem>>[vector<16xi32>], vector<16xf32>,
      %parallel_loop3A_606 = vector.extract_strided_slice %parallel_loop3A_22 {offsets = [10], sizes = [1], strides = [1]} : vector<16xi32> to vector<1xi32>
      %parallel_loop3A_607 = vector.extract %parallel_loop3A_606[0] : i32 from vector<1xi32>
      %parallel_loop3A_608 = vector.extract_strided_slice %parallel_loop3A_25 {offsets = [10], sizes = [1], strides = [1]} : vector<16xi32> to vector<1xi32>
      %parallel_loop3A_609 = vector.extract %parallel_loop3A_608[0] : i32 from vector<1xi32>
      %parallel_loop3A_610 = arith.constant 16 : i32
      %parallel_loop3A_611 = arith.muli %parallel_loop3A_15, %parallel_loop3A_610 : i32
      %parallel_loop3A_612 = arith.constant 10 : i32
      %parallel_loop3A_613 = arith.addi %parallel_loop3A_611, %parallel_loop3A_612 : i32
      %parallel_loop3A_614 = arith.constant 64 : i32
      %parallel_loop3A_615 = arith.muli %parallel_loop3A_613, %parallel_loop3A_614 : i32
      %parallel_loop3A_616 = arith.index_cast %parallel_loop3A_607 : i32 to index
      %parallel_loop3A_617 = arith.constant 0 : index
      %parallel_loop3A_618 = tpu.vector_load %arg8[%parallel_loop3A_616, %parallel_loop3A_617] {strides = array<i32>} : memref<196x32xf32, #tpu.memory_space<vmem>>, vector<16xf32>,
      %parallel_loop3A_619 = arith.index_cast %parallel_loop3A_607 : i32 to index
      %parallel_loop3A_620 = arith.constant 0 : index
      %parallel_loop3A_621 = tpu.vector_load %arg9[%parallel_loop3A_619, %parallel_loop3A_620] {strides = array<i32>} : memref<196x32xf32, #tpu.memory_space<vmem>>, vector<16xf32>,
      %parallel_loop3A_622 = arith.index_cast %parallel_loop3A_609 : i32 to index
      %parallel_loop3A_623 = arith.constant 0 : index
      %parallel_loop3A_624 = tpu.vector_load %arg10[%parallel_loop3A_622, %parallel_loop3A_623] {strides = array<i32>} : memref<512x32xf32, #tpu.memory_space<vmem>>, vector<16xf32>,
      %parallel_loop3A_625 = arith.index_cast %parallel_loop3A_609 : i32 to index
      %parallel_loop3A_626 = arith.constant 0 : index
      %parallel_loop3A_627 = tpu.vector_load %arg11[%parallel_loop3A_625, %parallel_loop3A_626] {strides = array<i32>} : memref<512x32xf32, #tpu.memory_space<vmem>>, vector<16xf32>,
      %parallel_loop3A_628 = arith.mulf %parallel_loop3A_618, %parallel_loop3A_627 : vector<16xf32>
      %parallel_loop3A_629 = arith.mulf %parallel_loop3A_621, %parallel_loop3A_624 : vector<16xf32>
      %parallel_loop3A_630 = arith.addf %parallel_loop3A_628, %parallel_loop3A_629 : vector<16xf32>
      %parallel_loop3A_631 = arith.mulf %parallel_loop3A_621, %parallel_loop3A_627 : vector<16xf32>
      %parallel_loop3A_632 = arith.mulf %parallel_loop3A_618, %parallel_loop3A_624 : vector<16xf32>
      %parallel_loop3A_633 = arith.subf %parallel_loop3A_631, %parallel_loop3A_632 : vector<16xf32>
      %parallel_loop3A_634 = arith.constant 0 : i32
      %parallel_loop3A_635 = arith.addi %parallel_loop3A_615, %parallel_loop3A_634 : i32
      %parallel_loop3A_636 = vector.broadcast %parallel_loop3A_635 : i32 to vector<16xi32>
      %parallel_loop3A_637 = arith.addi %mul3A_7, %parallel_loop3A_636 : vector<16xi32>
      tpu.vector_store_idx %arg13[%parallel_loop3A_637], %parallel_loop3A_630 : memref<32768xf32, #tpu.memory_space<vmem>>[vector<16xi32>], vector<16xf32>,
      %parallel_loop3A_638 = vector.broadcast %parallel_loop3A_635 : i32 to vector<16xi32>
      %parallel_loop3A_639 = arith.addi %add3A_10, %parallel_loop3A_638 : vector<16xi32>
      tpu.vector_store_idx %arg13[%parallel_loop3A_639], %parallel_loop3A_633 : memref<32768xf32, #tpu.memory_space<vmem>>[vector<16xi32>], vector<16xf32>,
      %parallel_loop3A_640 = arith.index_cast %parallel_loop3A_607 : i32 to index
      %parallel_loop3A_641 = arith.constant 16 : index
      %parallel_loop3A_642 = tpu.vector_load %arg8[%parallel_loop3A_640, %parallel_loop3A_641] {strides = array<i32>} : memref<196x32xf32, #tpu.memory_space<vmem>>, vector<16xf32>,
      %parallel_loop3A_643 = arith.index_cast %parallel_loop3A_607 : i32 to index
      %parallel_loop3A_644 = arith.constant 16 : index
      %parallel_loop3A_645 = tpu.vector_load %arg9[%parallel_loop3A_643, %parallel_loop3A_644] {strides = array<i32>} : memref<196x32xf32, #tpu.memory_space<vmem>>, vector<16xf32>,
      %parallel_loop3A_646 = arith.index_cast %parallel_loop3A_609 : i32 to index
      %parallel_loop3A_647 = arith.constant 16 : index
      %parallel_loop3A_648 = tpu.vector_load %arg10[%parallel_loop3A_646, %parallel_loop3A_647] {strides = array<i32>} : memref<512x32xf32, #tpu.memory_space<vmem>>, vector<16xf32>,
      %parallel_loop3A_649 = arith.index_cast %parallel_loop3A_609 : i32 to index
      %parallel_loop3A_650 = arith.constant 16 : index
      %parallel_loop3A_651 = tpu.vector_load %arg11[%parallel_loop3A_649, %parallel_loop3A_650] {strides = array<i32>} : memref<512x32xf32, #tpu.memory_space<vmem>>, vector<16xf32>,
      %parallel_loop3A_652 = arith.mulf %parallel_loop3A_642, %parallel_loop3A_651 : vector<16xf32>
      %parallel_loop3A_653 = arith.mulf %parallel_loop3A_645, %parallel_loop3A_648 : vector<16xf32>
      %parallel_loop3A_654 = arith.addf %parallel_loop3A_652, %parallel_loop3A_653 : vector<16xf32>
      %parallel_loop3A_655 = arith.mulf %parallel_loop3A_645, %parallel_loop3A_651 : vector<16xf32>
      %parallel_loop3A_656 = arith.mulf %parallel_loop3A_642, %parallel_loop3A_648 : vector<16xf32>
      %parallel_loop3A_657 = arith.subf %parallel_loop3A_655, %parallel_loop3A_656 : vector<16xf32>
      %parallel_loop3A_658 = arith.constant 32 : i32
      %parallel_loop3A_659 = arith.addi %parallel_loop3A_615, %parallel_loop3A_658 : i32
      %parallel_loop3A_660 = vector.broadcast %parallel_loop3A_659 : i32 to vector<16xi32>
      %parallel_loop3A_661 = arith.addi %mul3A_7, %parallel_loop3A_660 : vector<16xi32>
      tpu.vector_store_idx %arg13[%parallel_loop3A_661], %parallel_loop3A_654 : memref<32768xf32, #tpu.memory_space<vmem>>[vector<16xi32>], vector<16xf32>,
      %parallel_loop3A_662 = vector.broadcast %parallel_loop3A_659 : i32 to vector<16xi32>
      %parallel_loop3A_663 = arith.addi %add3A_10, %parallel_loop3A_662 : vector<16xi32>
      tpu.vector_store_idx %arg13[%parallel_loop3A_663], %parallel_loop3A_657 : memref<32768xf32, #tpu.memory_space<vmem>>[vector<16xi32>], vector<16xf32>,
      %parallel_loop3A_664 = vector.extract_strided_slice %parallel_loop3A_22 {offsets = [11], sizes = [1], strides = [1]} : vector<16xi32> to vector<1xi32>
      %parallel_loop3A_665 = vector.extract %parallel_loop3A_664[0] : i32 from vector<1xi32>
      %parallel_loop3A_666 = vector.extract_strided_slice %parallel_loop3A_25 {offsets = [11], sizes = [1], strides = [1]} : vector<16xi32> to vector<1xi32>
      %parallel_loop3A_667 = vector.extract %parallel_loop3A_666[0] : i32 from vector<1xi32>
      %parallel_loop3A_668 = arith.constant 16 : i32
      %parallel_loop3A_669 = arith.muli %parallel_loop3A_15, %parallel_loop3A_668 : i32
      %parallel_loop3A_670 = arith.constant 11 : i32
      %parallel_loop3A_671 = arith.addi %parallel_loop3A_669, %parallel_loop3A_670 : i32
      %parallel_loop3A_672 = arith.constant 64 : i32
      %parallel_loop3A_673 = arith.muli %parallel_loop3A_671, %parallel_loop3A_672 : i32
      %parallel_loop3A_674 = arith.index_cast %parallel_loop3A_665 : i32 to index
      %parallel_loop3A_675 = arith.constant 0 : index
      %parallel_loop3A_676 = tpu.vector_load %arg8[%parallel_loop3A_674, %parallel_loop3A_675] {strides = array<i32>} : memref<196x32xf32, #tpu.memory_space<vmem>>, vector<16xf32>,
      %parallel_loop3A_677 = arith.index_cast %parallel_loop3A_665 : i32 to index
      %parallel_loop3A_678 = arith.constant 0 : index
      %parallel_loop3A_679 = tpu.vector_load %arg9[%parallel_loop3A_677, %parallel_loop3A_678] {strides = array<i32>} : memref<196x32xf32, #tpu.memory_space<vmem>>, vector<16xf32>,
      %parallel_loop3A_680 = arith.index_cast %parallel_loop3A_667 : i32 to index
      %parallel_loop3A_681 = arith.constant 0 : index
      %parallel_loop3A_682 = tpu.vector_load %arg10[%parallel_loop3A_680, %parallel_loop3A_681] {strides = array<i32>} : memref<512x32xf32, #tpu.memory_space<vmem>>, vector<16xf32>,
      %parallel_loop3A_683 = arith.index_cast %parallel_loop3A_667 : i32 to index
      %parallel_loop3A_684 = arith.constant 0 : index
      %parallel_loop3A_685 = tpu.vector_load %arg11[%parallel_loop3A_683, %parallel_loop3A_684] {strides = array<i32>} : memref<512x32xf32, #tpu.memory_space<vmem>>, vector<16xf32>,
      %parallel_loop3A_686 = arith.mulf %parallel_loop3A_676, %parallel_loop3A_685 : vector<16xf32>
      %parallel_loop3A_687 = arith.mulf %parallel_loop3A_679, %parallel_loop3A_682 : vector<16xf32>
      %parallel_loop3A_688 = arith.addf %parallel_loop3A_686, %parallel_loop3A_687 : vector<16xf32>
      %parallel_loop3A_689 = arith.mulf %parallel_loop3A_679, %parallel_loop3A_685 : vector<16xf32>
      %parallel_loop3A_690 = arith.mulf %parallel_loop3A_676, %parallel_loop3A_682 : vector<16xf32>
      %parallel_loop3A_691 = arith.subf %parallel_loop3A_689, %parallel_loop3A_690 : vector<16xf32>
      %parallel_loop3A_692 = arith.constant 0 : i32
      %parallel_loop3A_693 = arith.addi %parallel_loop3A_673, %parallel_loop3A_692 : i32
      %parallel_loop3A_694 = vector.broadcast %parallel_loop3A_693 : i32 to vector<16xi32>
      %parallel_loop3A_695 = arith.addi %mul3A_7, %parallel_loop3A_694 : vector<16xi32>
      tpu.vector_store_idx %arg13[%parallel_loop3A_695], %parallel_loop3A_688 : memref<32768xf32, #tpu.memory_space<vmem>>[vector<16xi32>], vector<16xf32>,
      %parallel_loop3A_696 = vector.broadcast %parallel_loop3A_693 : i32 to vector<16xi32>
      %parallel_loop3A_697 = arith.addi %add3A_10, %parallel_loop3A_696 : vector<16xi32>
      tpu.vector_store_idx %arg13[%parallel_loop3A_697], %parallel_loop3A_691 : memref<32768xf32, #tpu.memory_space<vmem>>[vector<16xi32>], vector<16xf32>,
      %parallel_loop3A_698 = arith.index_cast %parallel_loop3A_665 : i32 to index
      %parallel_loop3A_699 = arith.constant 16 : index
      %parallel_loop3A_700 = tpu.vector_load %arg8[%parallel_loop3A_698, %parallel_loop3A_699] {strides = array<i32>} : memref<196x32xf32, #tpu.memory_space<vmem>>, vector<16xf32>,
      %parallel_loop3A_701 = arith.index_cast %parallel_loop3A_665 : i32 to index
      %parallel_loop3A_702 = arith.constant 16 : index
      %parallel_loop3A_703 = tpu.vector_load %arg9[%parallel_loop3A_701, %parallel_loop3A_702] {strides = array<i32>} : memref<196x32xf32, #tpu.memory_space<vmem>>, vector<16xf32>,
      %parallel_loop3A_704 = arith.index_cast %parallel_loop3A_667 : i32 to index
      %parallel_loop3A_705 = arith.constant 16 : index
      %parallel_loop3A_706 = tpu.vector_load %arg10[%parallel_loop3A_704, %parallel_loop3A_705] {strides = array<i32>} : memref<512x32xf32, #tpu.memory_space<vmem>>, vector<16xf32>,
      %parallel_loop3A_707 = arith.index_cast %parallel_loop3A_667 : i32 to index
      %parallel_loop3A_708 = arith.constant 16 : index
      %parallel_loop3A_709 = tpu.vector_load %arg11[%parallel_loop3A_707, %parallel_loop3A_708] {strides = array<i32>} : memref<512x32xf32, #tpu.memory_space<vmem>>, vector<16xf32>,
      %parallel_loop3A_710 = arith.mulf %parallel_loop3A_700, %parallel_loop3A_709 : vector<16xf32>
      %parallel_loop3A_711 = arith.mulf %parallel_loop3A_703, %parallel_loop3A_706 : vector<16xf32>
      %parallel_loop3A_712 = arith.addf %parallel_loop3A_710, %parallel_loop3A_711 : vector<16xf32>
      %parallel_loop3A_713 = arith.mulf %parallel_loop3A_703, %parallel_loop3A_709 : vector<16xf32>
      %parallel_loop3A_714 = arith.mulf %parallel_loop3A_700, %parallel_loop3A_706 : vector<16xf32>
      %parallel_loop3A_715 = arith.subf %parallel_loop3A_713, %parallel_loop3A_714 : vector<16xf32>
      %parallel_loop3A_716 = arith.constant 32 : i32
      %parallel_loop3A_717 = arith.addi %parallel_loop3A_673, %parallel_loop3A_716 : i32
      %parallel_loop3A_718 = vector.broadcast %parallel_loop3A_717 : i32 to vector<16xi32>
      %parallel_loop3A_719 = arith.addi %mul3A_7, %parallel_loop3A_718 : vector<16xi32>
      tpu.vector_store_idx %arg13[%parallel_loop3A_719], %parallel_loop3A_712 : memref<32768xf32, #tpu.memory_space<vmem>>[vector<16xi32>], vector<16xf32>,
      %parallel_loop3A_720 = vector.broadcast %parallel_loop3A_717 : i32 to vector<16xi32>
      %parallel_loop3A_721 = arith.addi %add3A_10, %parallel_loop3A_720 : vector<16xi32>
      tpu.vector_store_idx %arg13[%parallel_loop3A_721], %parallel_loop3A_715 : memref<32768xf32, #tpu.memory_space<vmem>>[vector<16xi32>], vector<16xf32>,
      %parallel_loop3A_722 = vector.extract_strided_slice %parallel_loop3A_22 {offsets = [12], sizes = [1], strides = [1]} : vector<16xi32> to vector<1xi32>
      %parallel_loop3A_723 = vector.extract %parallel_loop3A_722[0] : i32 from vector<1xi32>
      %parallel_loop3A_724 = vector.extract_strided_slice %parallel_loop3A_25 {offsets = [12], sizes = [1], strides = [1]} : vector<16xi32> to vector<1xi32>
      %parallel_loop3A_725 = vector.extract %parallel_loop3A_724[0] : i32 from vector<1xi32>
      %parallel_loop3A_726 = arith.constant 16 : i32
      %parallel_loop3A_727 = arith.muli %parallel_loop3A_15, %parallel_loop3A_726 : i32
      %parallel_loop3A_728 = arith.constant 12 : i32
      %parallel_loop3A_729 = arith.addi %parallel_loop3A_727, %parallel_loop3A_728 : i32
      %parallel_loop3A_730 = arith.constant 64 : i32
      %parallel_loop3A_731 = arith.muli %parallel_loop3A_729, %parallel_loop3A_730 : i32
      %parallel_loop3A_732 = arith.index_cast %parallel_loop3A_723 : i32 to index
      %parallel_loop3A_733 = arith.constant 0 : index
      %parallel_loop3A_734 = tpu.vector_load %arg8[%parallel_loop3A_732, %parallel_loop3A_733] {strides = array<i32>} : memref<196x32xf32, #tpu.memory_space<vmem>>, vector<16xf32>,
      %parallel_loop3A_735 = arith.index_cast %parallel_loop3A_723 : i32 to index
      %parallel_loop3A_736 = arith.constant 0 : index
      %parallel_loop3A_737 = tpu.vector_load %arg9[%parallel_loop3A_735, %parallel_loop3A_736] {strides = array<i32>} : memref<196x32xf32, #tpu.memory_space<vmem>>, vector<16xf32>,
      %parallel_loop3A_738 = arith.index_cast %parallel_loop3A_725 : i32 to index
      %parallel_loop3A_739 = arith.constant 0 : index
      %parallel_loop3A_740 = tpu.vector_load %arg10[%parallel_loop3A_738, %parallel_loop3A_739] {strides = array<i32>} : memref<512x32xf32, #tpu.memory_space<vmem>>, vector<16xf32>,
      %parallel_loop3A_741 = arith.index_cast %parallel_loop3A_725 : i32 to index
      %parallel_loop3A_742 = arith.constant 0 : index
      %parallel_loop3A_743 = tpu.vector_load %arg11[%parallel_loop3A_741, %parallel_loop3A_742] {strides = array<i32>} : memref<512x32xf32, #tpu.memory_space<vmem>>, vector<16xf32>,
      %parallel_loop3A_744 = arith.mulf %parallel_loop3A_734, %parallel_loop3A_743 : vector<16xf32>
      %parallel_loop3A_745 = arith.mulf %parallel_loop3A_737, %parallel_loop3A_740 : vector<16xf32>
      %parallel_loop3A_746 = arith.addf %parallel_loop3A_744, %parallel_loop3A_745 : vector<16xf32>
      %parallel_loop3A_747 = arith.mulf %parallel_loop3A_737, %parallel_loop3A_743 : vector<16xf32>
      %parallel_loop3A_748 = arith.mulf %parallel_loop3A_734, %parallel_loop3A_740 : vector<16xf32>
      %parallel_loop3A_749 = arith.subf %parallel_loop3A_747, %parallel_loop3A_748 : vector<16xf32>
      %parallel_loop3A_750 = arith.constant 0 : i32
      %parallel_loop3A_751 = arith.addi %parallel_loop3A_731, %parallel_loop3A_750 : i32
      %parallel_loop3A_752 = vector.broadcast %parallel_loop3A_751 : i32 to vector<16xi32>
      %parallel_loop3A_753 = arith.addi %mul3A_7, %parallel_loop3A_752 : vector<16xi32>
      tpu.vector_store_idx %arg13[%parallel_loop3A_753], %parallel_loop3A_746 : memref<32768xf32, #tpu.memory_space<vmem>>[vector<16xi32>], vector<16xf32>,
      %parallel_loop3A_754 = vector.broadcast %parallel_loop3A_751 : i32 to vector<16xi32>
      %parallel_loop3A_755 = arith.addi %add3A_10, %parallel_loop3A_754 : vector<16xi32>
      tpu.vector_store_idx %arg13[%parallel_loop3A_755], %parallel_loop3A_749 : memref<32768xf32, #tpu.memory_space<vmem>>[vector<16xi32>], vector<16xf32>,
      %parallel_loop3A_756 = arith.index_cast %parallel_loop3A_723 : i32 to index
      %parallel_loop3A_757 = arith.constant 16 : index
      %parallel_loop3A_758 = tpu.vector_load %arg8[%parallel_loop3A_756, %parallel_loop3A_757] {strides = array<i32>} : memref<196x32xf32, #tpu.memory_space<vmem>>, vector<16xf32>,
      %parallel_loop3A_759 = arith.index_cast %parallel_loop3A_723 : i32 to index
      %parallel_loop3A_760 = arith.constant 16 : index
      %parallel_loop3A_761 = tpu.vector_load %arg9[%parallel_loop3A_759, %parallel_loop3A_760] {strides = array<i32>} : memref<196x32xf32, #tpu.memory_space<vmem>>, vector<16xf32>,
      %parallel_loop3A_762 = arith.index_cast %parallel_loop3A_725 : i32 to index
      %parallel_loop3A_763 = arith.constant 16 : index
      %parallel_loop3A_764 = tpu.vector_load %arg10[%parallel_loop3A_762, %parallel_loop3A_763] {strides = array<i32>} : memref<512x32xf32, #tpu.memory_space<vmem>>, vector<16xf32>,
      %parallel_loop3A_765 = arith.index_cast %parallel_loop3A_725 : i32 to index
      %parallel_loop3A_766 = arith.constant 16 : index
      %parallel_loop3A_767 = tpu.vector_load %arg11[%parallel_loop3A_765, %parallel_loop3A_766] {strides = array<i32>} : memref<512x32xf32, #tpu.memory_space<vmem>>, vector<16xf32>,
      %parallel_loop3A_768 = arith.mulf %parallel_loop3A_758, %parallel_loop3A_767 : vector<16xf32>
      %parallel_loop3A_769 = arith.mulf %parallel_loop3A_761, %parallel_loop3A_764 : vector<16xf32>
      %parallel_loop3A_770 = arith.addf %parallel_loop3A_768, %parallel_loop3A_769 : vector<16xf32>
      %parallel_loop3A_771 = arith.mulf %parallel_loop3A_761, %parallel_loop3A_767 : vector<16xf32>
      %parallel_loop3A_772 = arith.mulf %parallel_loop3A_758, %parallel_loop3A_764 : vector<16xf32>
      %parallel_loop3A_773 = arith.subf %parallel_loop3A_771, %parallel_loop3A_772 : vector<16xf32>
      %parallel_loop3A_774 = arith.constant 32 : i32
      %parallel_loop3A_775 = arith.addi %parallel_loop3A_731, %parallel_loop3A_774 : i32
      %parallel_loop3A_776 = vector.broadcast %parallel_loop3A_775 : i32 to vector<16xi32>
      %parallel_loop3A_777 = arith.addi %mul3A_7, %parallel_loop3A_776 : vector<16xi32>
      tpu.vector_store_idx %arg13[%parallel_loop3A_777], %parallel_loop3A_770 : memref<32768xf32, #tpu.memory_space<vmem>>[vector<16xi32>], vector<16xf32>,
      %parallel_loop3A_778 = vector.broadcast %parallel_loop3A_775 : i32 to vector<16xi32>
      %parallel_loop3A_779 = arith.addi %add3A_10, %parallel_loop3A_778 : vector<16xi32>
      tpu.vector_store_idx %arg13[%parallel_loop3A_779], %parallel_loop3A_773 : memref<32768xf32, #tpu.memory_space<vmem>>[vector<16xi32>], vector<16xf32>,
      %parallel_loop3A_780 = vector.extract_strided_slice %parallel_loop3A_22 {offsets = [13], sizes = [1], strides = [1]} : vector<16xi32> to vector<1xi32>
      %parallel_loop3A_781 = vector.extract %parallel_loop3A_780[0] : i32 from vector<1xi32>
      %parallel_loop3A_782 = vector.extract_strided_slice %parallel_loop3A_25 {offsets = [13], sizes = [1], strides = [1]} : vector<16xi32> to vector<1xi32>
      %parallel_loop3A_783 = vector.extract %parallel_loop3A_782[0] : i32 from vector<1xi32>
      %parallel_loop3A_784 = arith.constant 16 : i32
      %parallel_loop3A_785 = arith.muli %parallel_loop3A_15, %parallel_loop3A_784 : i32
      %parallel_loop3A_786 = arith.constant 13 : i32
      %parallel_loop3A_787 = arith.addi %parallel_loop3A_785, %parallel_loop3A_786 : i32
      %parallel_loop3A_788 = arith.constant 64 : i32
      %parallel_loop3A_789 = arith.muli %parallel_loop3A_787, %parallel_loop3A_788 : i32
      %parallel_loop3A_790 = arith.index_cast %parallel_loop3A_781 : i32 to index
      %parallel_loop3A_791 = arith.constant 0 : index
      %parallel_loop3A_792 = tpu.vector_load %arg8[%parallel_loop3A_790, %parallel_loop3A_791] {strides = array<i32>} : memref<196x32xf32, #tpu.memory_space<vmem>>, vector<16xf32>,
      %parallel_loop3A_793 = arith.index_cast %parallel_loop3A_781 : i32 to index
      %parallel_loop3A_794 = arith.constant 0 : index
      %parallel_loop3A_795 = tpu.vector_load %arg9[%parallel_loop3A_793, %parallel_loop3A_794] {strides = array<i32>} : memref<196x32xf32, #tpu.memory_space<vmem>>, vector<16xf32>,
      %parallel_loop3A_796 = arith.index_cast %parallel_loop3A_783 : i32 to index
      %parallel_loop3A_797 = arith.constant 0 : index
      %parallel_loop3A_798 = tpu.vector_load %arg10[%parallel_loop3A_796, %parallel_loop3A_797] {strides = array<i32>} : memref<512x32xf32, #tpu.memory_space<vmem>>, vector<16xf32>,
      %parallel_loop3A_799 = arith.index_cast %parallel_loop3A_783 : i32 to index
      %parallel_loop3A_800 = arith.constant 0 : index
      %parallel_loop3A_801 = tpu.vector_load %arg11[%parallel_loop3A_799, %parallel_loop3A_800] {strides = array<i32>} : memref<512x32xf32, #tpu.memory_space<vmem>>, vector<16xf32>,
      %parallel_loop3A_802 = arith.mulf %parallel_loop3A_792, %parallel_loop3A_801 : vector<16xf32>
      %parallel_loop3A_803 = arith.mulf %parallel_loop3A_795, %parallel_loop3A_798 : vector<16xf32>
      %parallel_loop3A_804 = arith.addf %parallel_loop3A_802, %parallel_loop3A_803 : vector<16xf32>
      %parallel_loop3A_805 = arith.mulf %parallel_loop3A_795, %parallel_loop3A_801 : vector<16xf32>
      %parallel_loop3A_806 = arith.mulf %parallel_loop3A_792, %parallel_loop3A_798 : vector<16xf32>
      %parallel_loop3A_807 = arith.subf %parallel_loop3A_805, %parallel_loop3A_806 : vector<16xf32>
      %parallel_loop3A_808 = arith.constant 0 : i32
      %parallel_loop3A_809 = arith.addi %parallel_loop3A_789, %parallel_loop3A_808 : i32
      %parallel_loop3A_810 = vector.broadcast %parallel_loop3A_809 : i32 to vector<16xi32>
      %parallel_loop3A_811 = arith.addi %mul3A_7, %parallel_loop3A_810 : vector<16xi32>
      tpu.vector_store_idx %arg13[%parallel_loop3A_811], %parallel_loop3A_804 : memref<32768xf32, #tpu.memory_space<vmem>>[vector<16xi32>], vector<16xf32>,
      %parallel_loop3A_812 = vector.broadcast %parallel_loop3A_809 : i32 to vector<16xi32>
      %parallel_loop3A_813 = arith.addi %add3A_10, %parallel_loop3A_812 : vector<16xi32>
      tpu.vector_store_idx %arg13[%parallel_loop3A_813], %parallel_loop3A_807 : memref<32768xf32, #tpu.memory_space<vmem>>[vector<16xi32>], vector<16xf32>,
      %parallel_loop3A_814 = arith.index_cast %parallel_loop3A_781 : i32 to index
      %parallel_loop3A_815 = arith.constant 16 : index
      %parallel_loop3A_816 = tpu.vector_load %arg8[%parallel_loop3A_814, %parallel_loop3A_815] {strides = array<i32>} : memref<196x32xf32, #tpu.memory_space<vmem>>, vector<16xf32>,
      %parallel_loop3A_817 = arith.index_cast %parallel_loop3A_781 : i32 to index
      %parallel_loop3A_818 = arith.constant 16 : index
      %parallel_loop3A_819 = tpu.vector_load %arg9[%parallel_loop3A_817, %parallel_loop3A_818] {strides = array<i32>} : memref<196x32xf32, #tpu.memory_space<vmem>>, vector<16xf32>,
      %parallel_loop3A_820 = arith.index_cast %parallel_loop3A_783 : i32 to index
      %parallel_loop3A_821 = arith.constant 16 : index
      %parallel_loop3A_822 = tpu.vector_load %arg10[%parallel_loop3A_820, %parallel_loop3A_821] {strides = array<i32>} : memref<512x32xf32, #tpu.memory_space<vmem>>, vector<16xf32>,
      %parallel_loop3A_823 = arith.index_cast %parallel_loop3A_783 : i32 to index
      %parallel_loop3A_824 = arith.constant 16 : index
      %parallel_loop3A_825 = tpu.vector_load %arg11[%parallel_loop3A_823, %parallel_loop3A_824] {strides = array<i32>} : memref<512x32xf32, #tpu.memory_space<vmem>>, vector<16xf32>,
      %parallel_loop3A_826 = arith.mulf %parallel_loop3A_816, %parallel_loop3A_825 : vector<16xf32>
      %parallel_loop3A_827 = arith.mulf %parallel_loop3A_819, %parallel_loop3A_822 : vector<16xf32>
      %parallel_loop3A_828 = arith.addf %parallel_loop3A_826, %parallel_loop3A_827 : vector<16xf32>
      %parallel_loop3A_829 = arith.mulf %parallel_loop3A_819, %parallel_loop3A_825 : vector<16xf32>
      %parallel_loop3A_830 = arith.mulf %parallel_loop3A_816, %parallel_loop3A_822 : vector<16xf32>
      %parallel_loop3A_831 = arith.subf %parallel_loop3A_829, %parallel_loop3A_830 : vector<16xf32>
      %parallel_loop3A_832 = arith.constant 32 : i32
      %parallel_loop3A_833 = arith.addi %parallel_loop3A_789, %parallel_loop3A_832 : i32
      %parallel_loop3A_834 = vector.broadcast %parallel_loop3A_833 : i32 to vector<16xi32>
      %parallel_loop3A_835 = arith.addi %mul3A_7, %parallel_loop3A_834 : vector<16xi32>
      tpu.vector_store_idx %arg13[%parallel_loop3A_835], %parallel_loop3A_828 : memref<32768xf32, #tpu.memory_space<vmem>>[vector<16xi32>], vector<16xf32>,
      %parallel_loop3A_836 = vector.broadcast %parallel_loop3A_833 : i32 to vector<16xi32>
      %parallel_loop3A_837 = arith.addi %add3A_10, %parallel_loop3A_836 : vector<16xi32>
      tpu.vector_store_idx %arg13[%parallel_loop3A_837], %parallel_loop3A_831 : memref<32768xf32, #tpu.memory_space<vmem>>[vector<16xi32>], vector<16xf32>,
      %parallel_loop3A_838 = vector.extract_strided_slice %parallel_loop3A_22 {offsets = [14], sizes = [1], strides = [1]} : vector<16xi32> to vector<1xi32>
      %parallel_loop3A_839 = vector.extract %parallel_loop3A_838[0] : i32 from vector<1xi32>
      %parallel_loop3A_840 = vector.extract_strided_slice %parallel_loop3A_25 {offsets = [14], sizes = [1], strides = [1]} : vector<16xi32> to vector<1xi32>
      %parallel_loop3A_841 = vector.extract %parallel_loop3A_840[0] : i32 from vector<1xi32>
      %parallel_loop3A_842 = arith.constant 16 : i32
      %parallel_loop3A_843 = arith.muli %parallel_loop3A_15, %parallel_loop3A_842 : i32
      %parallel_loop3A_844 = arith.constant 14 : i32
      %parallel_loop3A_845 = arith.addi %parallel_loop3A_843, %parallel_loop3A_844 : i32
      %parallel_loop3A_846 = arith.constant 64 : i32
      %parallel_loop3A_847 = arith.muli %parallel_loop3A_845, %parallel_loop3A_846 : i32
      %parallel_loop3A_848 = arith.index_cast %parallel_loop3A_839 : i32 to index
      %parallel_loop3A_849 = arith.constant 0 : index
      %parallel_loop3A_850 = tpu.vector_load %arg8[%parallel_loop3A_848, %parallel_loop3A_849] {strides = array<i32>} : memref<196x32xf32, #tpu.memory_space<vmem>>, vector<16xf32>,
      %parallel_loop3A_851 = arith.index_cast %parallel_loop3A_839 : i32 to index
      %parallel_loop3A_852 = arith.constant 0 : index
      %parallel_loop3A_853 = tpu.vector_load %arg9[%parallel_loop3A_851, %parallel_loop3A_852] {strides = array<i32>} : memref<196x32xf32, #tpu.memory_space<vmem>>, vector<16xf32>,
      %parallel_loop3A_854 = arith.index_cast %parallel_loop3A_841 : i32 to index
      %parallel_loop3A_855 = arith.constant 0 : index
      %parallel_loop3A_856 = tpu.vector_load %arg10[%parallel_loop3A_854, %parallel_loop3A_855] {strides = array<i32>} : memref<512x32xf32, #tpu.memory_space<vmem>>, vector<16xf32>,
      %parallel_loop3A_857 = arith.index_cast %parallel_loop3A_841 : i32 to index
      %parallel_loop3A_858 = arith.constant 0 : index
      %parallel_loop3A_859 = tpu.vector_load %arg11[%parallel_loop3A_857, %parallel_loop3A_858] {strides = array<i32>} : memref<512x32xf32, #tpu.memory_space<vmem>>, vector<16xf32>,
      %parallel_loop3A_860 = arith.mulf %parallel_loop3A_850, %parallel_loop3A_859 : vector<16xf32>
      %parallel_loop3A_861 = arith.mulf %parallel_loop3A_853, %parallel_loop3A_856 : vector<16xf32>
      %parallel_loop3A_862 = arith.addf %parallel_loop3A_860, %parallel_loop3A_861 : vector<16xf32>
      %parallel_loop3A_863 = arith.mulf %parallel_loop3A_853, %parallel_loop3A_859 : vector<16xf32>
      %parallel_loop3A_864 = arith.mulf %parallel_loop3A_850, %parallel_loop3A_856 : vector<16xf32>
      %parallel_loop3A_865 = arith.subf %parallel_loop3A_863, %parallel_loop3A_864 : vector<16xf32>
      %parallel_loop3A_866 = arith.constant 0 : i32
      %parallel_loop3A_867 = arith.addi %parallel_loop3A_847, %parallel_loop3A_866 : i32
      %parallel_loop3A_868 = vector.broadcast %parallel_loop3A_867 : i32 to vector<16xi32>
      %parallel_loop3A_869 = arith.addi %mul3A_7, %parallel_loop3A_868 : vector<16xi32>
      tpu.vector_store_idx %arg13[%parallel_loop3A_869], %parallel_loop3A_862 : memref<32768xf32, #tpu.memory_space<vmem>>[vector<16xi32>], vector<16xf32>,
      %parallel_loop3A_870 = vector.broadcast %parallel_loop3A_867 : i32 to vector<16xi32>
      %parallel_loop3A_871 = arith.addi %add3A_10, %parallel_loop3A_870 : vector<16xi32>
      tpu.vector_store_idx %arg13[%parallel_loop3A_871], %parallel_loop3A_865 : memref<32768xf32, #tpu.memory_space<vmem>>[vector<16xi32>], vector<16xf32>,
      %parallel_loop3A_872 = arith.index_cast %parallel_loop3A_839 : i32 to index
      %parallel_loop3A_873 = arith.constant 16 : index
      %parallel_loop3A_874 = tpu.vector_load %arg8[%parallel_loop3A_872, %parallel_loop3A_873] {strides = array<i32>} : memref<196x32xf32, #tpu.memory_space<vmem>>, vector<16xf32>,
      %parallel_loop3A_875 = arith.index_cast %parallel_loop3A_839 : i32 to index
      %parallel_loop3A_876 = arith.constant 16 : index
      %parallel_loop3A_877 = tpu.vector_load %arg9[%parallel_loop3A_875, %parallel_loop3A_876] {strides = array<i32>} : memref<196x32xf32, #tpu.memory_space<vmem>>, vector<16xf32>,
      %parallel_loop3A_878 = arith.index_cast %parallel_loop3A_841 : i32 to index
      %parallel_loop3A_879 = arith.constant 16 : index
      %parallel_loop3A_880 = tpu.vector_load %arg10[%parallel_loop3A_878, %parallel_loop3A_879] {strides = array<i32>} : memref<512x32xf32, #tpu.memory_space<vmem>>, vector<16xf32>,
      %parallel_loop3A_881 = arith.index_cast %parallel_loop3A_841 : i32 to index
      %parallel_loop3A_882 = arith.constant 16 : index
      %parallel_loop3A_883 = tpu.vector_load %arg11[%parallel_loop3A_881, %parallel_loop3A_882] {strides = array<i32>} : memref<512x32xf32, #tpu.memory_space<vmem>>, vector<16xf32>,
      %parallel_loop3A_884 = arith.mulf %parallel_loop3A_874, %parallel_loop3A_883 : vector<16xf32>
      %parallel_loop3A_885 = arith.mulf %parallel_loop3A_877, %parallel_loop3A_880 : vector<16xf32>
      %parallel_loop3A_886 = arith.addf %parallel_loop3A_884, %parallel_loop3A_885 : vector<16xf32>
      %parallel_loop3A_887 = arith.mulf %parallel_loop3A_877, %parallel_loop3A_883 : vector<16xf32>
      %parallel_loop3A_888 = arith.mulf %parallel_loop3A_874, %parallel_loop3A_880 : vector<16xf32>
      %parallel_loop3A_889 = arith.subf %parallel_loop3A_887, %parallel_loop3A_888 : vector<16xf32>
      %parallel_loop3A_890 = arith.constant 32 : i32
      %parallel_loop3A_891 = arith.addi %parallel_loop3A_847, %parallel_loop3A_890 : i32
      %parallel_loop3A_892 = vector.broadcast %parallel_loop3A_891 : i32 to vector<16xi32>
      %parallel_loop3A_893 = arith.addi %mul3A_7, %parallel_loop3A_892 : vector<16xi32>
      tpu.vector_store_idx %arg13[%parallel_loop3A_893], %parallel_loop3A_886 : memref<32768xf32, #tpu.memory_space<vmem>>[vector<16xi32>], vector<16xf32>,
      %parallel_loop3A_894 = vector.broadcast %parallel_loop3A_891 : i32 to vector<16xi32>
      %parallel_loop3A_895 = arith.addi %add3A_10, %parallel_loop3A_894 : vector<16xi32>
      tpu.vector_store_idx %arg13[%parallel_loop3A_895], %parallel_loop3A_889 : memref<32768xf32, #tpu.memory_space<vmem>>[vector<16xi32>], vector<16xf32>,
      %parallel_loop3A_896 = vector.extract_strided_slice %parallel_loop3A_22 {offsets = [15], sizes = [1], strides = [1]} : vector<16xi32> to vector<1xi32>
      %parallel_loop3A_897 = vector.extract %parallel_loop3A_896[0] : i32 from vector<1xi32>
      %parallel_loop3A_898 = vector.extract_strided_slice %parallel_loop3A_25 {offsets = [15], sizes = [1], strides = [1]} : vector<16xi32> to vector<1xi32>
      %parallel_loop3A_899 = vector.extract %parallel_loop3A_898[0] : i32 from vector<1xi32>
      %parallel_loop3A_900 = arith.constant 16 : i32
      %parallel_loop3A_901 = arith.muli %parallel_loop3A_15, %parallel_loop3A_900 : i32
      %parallel_loop3A_902 = arith.constant 15 : i32
      %parallel_loop3A_903 = arith.addi %parallel_loop3A_901, %parallel_loop3A_902 : i32
      %parallel_loop3A_904 = arith.constant 64 : i32
      %parallel_loop3A_905 = arith.muli %parallel_loop3A_903, %parallel_loop3A_904 : i32
      %parallel_loop3A_906 = arith.index_cast %parallel_loop3A_897 : i32 to index
      %parallel_loop3A_907 = arith.constant 0 : index
      %parallel_loop3A_908 = tpu.vector_load %arg8[%parallel_loop3A_906, %parallel_loop3A_907] {strides = array<i32>} : memref<196x32xf32, #tpu.memory_space<vmem>>, vector<16xf32>,
      %parallel_loop3A_909 = arith.index_cast %parallel_loop3A_897 : i32 to index
      %parallel_loop3A_910 = arith.constant 0 : index
      %parallel_loop3A_911 = tpu.vector_load %arg9[%parallel_loop3A_909, %parallel_loop3A_910] {strides = array<i32>} : memref<196x32xf32, #tpu.memory_space<vmem>>, vector<16xf32>,
      %parallel_loop3A_912 = arith.index_cast %parallel_loop3A_899 : i32 to index
      %parallel_loop3A_913 = arith.constant 0 : index
      %parallel_loop3A_914 = tpu.vector_load %arg10[%parallel_loop3A_912, %parallel_loop3A_913] {strides = array<i32>} : memref<512x32xf32, #tpu.memory_space<vmem>>, vector<16xf32>,
      %parallel_loop3A_915 = arith.index_cast %parallel_loop3A_899 : i32 to index
      %parallel_loop3A_916 = arith.constant 0 : index
      %parallel_loop3A_917 = tpu.vector_load %arg11[%parallel_loop3A_915, %parallel_loop3A_916] {strides = array<i32>} : memref<512x32xf32, #tpu.memory_space<vmem>>, vector<16xf32>,
      %parallel_loop3A_918 = arith.mulf %parallel_loop3A_908, %parallel_loop3A_917 : vector<16xf32>
      %parallel_loop3A_919 = arith.mulf %parallel_loop3A_911, %parallel_loop3A_914 : vector<16xf32>
      %parallel_loop3A_920 = arith.addf %parallel_loop3A_918, %parallel_loop3A_919 : vector<16xf32>
      %parallel_loop3A_921 = arith.mulf %parallel_loop3A_911, %parallel_loop3A_917 : vector<16xf32>
      %parallel_loop3A_922 = arith.mulf %parallel_loop3A_908, %parallel_loop3A_914 : vector<16xf32>
      %parallel_loop3A_923 = arith.subf %parallel_loop3A_921, %parallel_loop3A_922 : vector<16xf32>
      %parallel_loop3A_924 = arith.constant 0 : i32
      %parallel_loop3A_925 = arith.addi %parallel_loop3A_905, %parallel_loop3A_924 : i32
      %parallel_loop3A_926 = vector.broadcast %parallel_loop3A_925 : i32 to vector<16xi32>
      %parallel_loop3A_927 = arith.addi %mul3A_7, %parallel_loop3A_926 : vector<16xi32>
      tpu.vector_store_idx %arg13[%parallel_loop3A_927], %parallel_loop3A_920 : memref<32768xf32, #tpu.memory_space<vmem>>[vector<16xi32>], vector<16xf32>,
      %parallel_loop3A_928 = vector.broadcast %parallel_loop3A_925 : i32 to vector<16xi32>
      %parallel_loop3A_929 = arith.addi %add3A_10, %parallel_loop3A_928 : vector<16xi32>
      tpu.vector_store_idx %arg13[%parallel_loop3A_929], %parallel_loop3A_923 : memref<32768xf32, #tpu.memory_space<vmem>>[vector<16xi32>], vector<16xf32>,
      %parallel_loop3A_930 = arith.index_cast %parallel_loop3A_897 : i32 to index
      %parallel_loop3A_931 = arith.constant 16 : index
      %parallel_loop3A_932 = tpu.vector_load %arg8[%parallel_loop3A_930, %parallel_loop3A_931] {strides = array<i32>} : memref<196x32xf32, #tpu.memory_space<vmem>>, vector<16xf32>,
      %parallel_loop3A_933 = arith.index_cast %parallel_loop3A_897 : i32 to index
      %parallel_loop3A_934 = arith.constant 16 : index
      %parallel_loop3A_935 = tpu.vector_load %arg9[%parallel_loop3A_933, %parallel_loop3A_934] {strides = array<i32>} : memref<196x32xf32, #tpu.memory_space<vmem>>, vector<16xf32>,
      %parallel_loop3A_936 = arith.index_cast %parallel_loop3A_899 : i32 to index
      %parallel_loop3A_937 = arith.constant 16 : index
      %parallel_loop3A_938 = tpu.vector_load %arg10[%parallel_loop3A_936, %parallel_loop3A_937] {strides = array<i32>} : memref<512x32xf32, #tpu.memory_space<vmem>>, vector<16xf32>,
      %parallel_loop3A_939 = arith.index_cast %parallel_loop3A_899 : i32 to index
      %parallel_loop3A_940 = arith.constant 16 : index
      %parallel_loop3A_941 = tpu.vector_load %arg11[%parallel_loop3A_939, %parallel_loop3A_940] {strides = array<i32>} : memref<512x32xf32, #tpu.memory_space<vmem>>, vector<16xf32>,
      %parallel_loop3A_942 = arith.mulf %parallel_loop3A_932, %parallel_loop3A_941 : vector<16xf32>
      %parallel_loop3A_943 = arith.mulf %parallel_loop3A_935, %parallel_loop3A_938 : vector<16xf32>
      %parallel_loop3A_944 = arith.addf %parallel_loop3A_942, %parallel_loop3A_943 : vector<16xf32>
      %parallel_loop3A_945 = arith.mulf %parallel_loop3A_935, %parallel_loop3A_941 : vector<16xf32>
      %parallel_loop3A_946 = arith.mulf %parallel_loop3A_932, %parallel_loop3A_938 : vector<16xf32>
      %parallel_loop3A_947 = arith.subf %parallel_loop3A_945, %parallel_loop3A_946 : vector<16xf32>
      %parallel_loop3A_948 = arith.constant 32 : i32
      %parallel_loop3A_949 = arith.addi %parallel_loop3A_905, %parallel_loop3A_948 : i32
      %parallel_loop3A_950 = vector.broadcast %parallel_loop3A_949 : i32 to vector<16xi32>
      %parallel_loop3A_951 = arith.addi %mul3A_7, %parallel_loop3A_950 : vector<16xi32>
      tpu.vector_store_idx %arg13[%parallel_loop3A_951], %parallel_loop3A_944 : memref<32768xf32, #tpu.memory_space<vmem>>[vector<16xi32>], vector<16xf32>,
      %parallel_loop3A_952 = vector.broadcast %parallel_loop3A_949 : i32 to vector<16xi32>
      %parallel_loop3A_953 = arith.addi %add3A_10, %parallel_loop3A_952 : vector<16xi32>
      tpu.vector_store_idx %arg13[%parallel_loop3A_953], %parallel_loop3A_947 : memref<32768xf32, #tpu.memory_space<vmem>>[vector<16xi32>], vector<16xf32>,
    } {sc.loop_unroll_factor = 2 : i64, sc.parallel_access}
    %mul3A_13 = arith.constant 64 : i32
    %mul3A_14 = arith.muli %mul3A_2, %mul3A_13 : i32
    "tpu.region"() ({
      %run_scoped3A = tpu.sem_alloc : memref<!tpu.dma_semaphore, #tpu.memory_space<semaphore_mem>>
      %dma_start3A_15 = tpu.memref_slice %arg7[%mul3A_14] : memref<1048576xf32, #tpu.memory_space<hbm>> -> memref<32768xf32, #tpu.memory_space<hbm>>
      %dma_start3A_16 = tpu.memref_slice %arg7[%mul3A_14] : memref<1048576xf32, #tpu.memory_space<hbm>> -> memref<32768xf32, #tpu.memory_space<hbm>>
      tpu.enqueue_dma source(%arg13 : memref<32768xf32, #tpu.memory_space<vmem>>) target(%dma_start3A_16 : memref<32768xf32, #tpu.memory_space<hbm>>) target_semaphore(%run_scoped3A : memref<!tpu.dma_semaphore, #tpu.memory_space<semaphore_mem>>)
      %dma_wait3A_17 = tpu.memref_slice %arg7[%mul3A_14] : memref<1048576xf32, #tpu.memory_space<hbm>> -> memref<32768xf32, #tpu.memory_space<hbm>>
      %dma_wait3A_18 = tpu.memref_slice %arg7[%mul3A_14] : memref<1048576xf32, #tpu.memory_space<hbm>> -> memref<32768xf32, #tpu.memory_space<hbm>>
      tpu.wait_dma2 semaphore(%run_scoped3A : memref<!tpu.dma_semaphore, #tpu.memory_space<semaphore_mem>>) src(%arg13 : memref<32768xf32, #tpu.memory_space<vmem>>) dst(%dma_wait3A_18 : memref<32768xf32, #tpu.memory_space<hbm>>)
      tpu.yield
    }) : () -> ()
    return
  }
}

</mosaic_0001>

<sc_bundles>
// kernel: kernel.3.cloned.1.call-start
scs
__scs_entry_jumppad:
0x0: {  	(pc) =	sbr.rel $0x88, $3  }
0x1: {  	(tag) =	ssettag $0x0;
	lr =	simm.s32 $0x1  }
0x2: {  	[smem:$0x3F9F] =	sst lr;
	_ =	strace $0xD0000000  }
0x3: {  	_ = 	snop  }
0x4: {  	_ = 	snop  }
0x5: {  	_ = 	snop  }
0x6: {  	_ = 	snop  }
0x7: {  	_ = 	snop  }
__scs_overlays_trampoline_lowered:
0x8: {  	[smem:$0x3FAE] =	sst s0  }
0x9: {  	[smem:$0x3FAF] =	sst s1  }
0xa: {  	[smem:$0x3FB0] =	sst s2  }
0xb: {  	[smem:$0x3FB1] =	sst s3  }
0xc: {  	[smem:$0x3FB2] =	sst s4  }
0xd: {  	[smem:$0x3FB3] =	sst s5  }
0xe: {  	[smem:$0x3FB4] =	sst s6  }
0xf: {  	[smem:$0x3FB5] =	sst s7  }
0x10: {  	[smem:$0x3FB6] =	sst s8  }
0x11: {  	[smem:$0x3FB7] =	sst s9;
	s0 =	simm.s32 @!p0 $0x0  }
0x12: {  	s1 =	sld [smem:$0x3F9D];
	s0 =	simm.s32 @p0 $0x1  }
0x13: {  	[smem:$0x3FB8] =	sst s0;
	s0 =	simm.s32 @!p1 $0x0  }
0x14: {  	s2 =	sld [smem:$0x3F9C];
	s0 =	simm.s32 @p1 $0x1  }
0x15: {  	[smem:$0x3FB9] =	sst s0;
	s0 =	simm.s32 @!p2 $0x0  }
0x16: {  	s3 =	sld [smem:$0x3FDB];
	s0 =	simm.s32 @p2 $0x1  }
0x17: {  	s4 =	simm.s32 $0x1BF5;
	[smem:$0x3FBB] =	sst s0  }
0x18: {  	s0 =	sld [smem:$0x3F9E];
	_ =	swait.ge [sflag:s4], $0x0  }
0x19: {  	s7 =	sld [smem:$0x3F9F]  }
0x1a: {  	s8 =	sadd.s32 $0xFFFFE003, lr  }
0x1b: {  	s9 =	sadd.s32 $0xFFFFFEF7, lr;
	s5 =	simm.s32 $0xFFFFFFFF;
	p2 =	slt.u32 s8, $0xFFFFF086  }
0x1c: {  	p1 =	slt.u32 s9, $0xF7A;
	s5 =	simm.s32 @!p2 $0x0  }
0x1d: {  	s5 =	simm.s32 @p1 $0x1;
	p0 =	seq.s32 s7, s2  }
0x1e: {  	s7 =	smul.u32 @!p0 $0xF7A, s2;
	p2 =	seq.s32 @!p0 s5, $0x0  }
0x1f: {  	s9 =	smul.u32 $0xF7A, s1;
	s8 =	simm.s32 @!p0 $0x1BF5;
	p2 =	por !p2, p0  }
0x20: {  	[sflag:s8] =	ssyncset.s32 @!p0 $0xFFFFF086;
	s6 =	sadd.s32 @!p0 s3, s7;
	s7 =	simm.s32 @!p0 $0x108  }
0x21: {  	s3 =	sadd.s32 s3, s9;
	s6 =	sadd.s32 @!p0 $0x88, s6;
	s7 =	simm.s32 @p2 $0x1082  }
0x22: {  	[simem:s7], [sflag:s8] =	dma.local @!p0 [hbm:s6], $0xF7A  }
0x23: {  	s9 =	sor.u32 $0xD0000000, s2;
	s6 =	simm.s32 $0x108;
	_ =	swait.ge @!p0 [sflag:s8], $0x0  }
0x24: {  	s3 =	sadd.s32 $0x88, s3;
	s6 =	simm.s32 @!p1 $0x1082;
	[sflag:s4] =	ssyncset.s32 $0xFFFFF086  }
0x25: {  	[simem:s6], [sflag:s4] =	dma.local [hbm:s3], $0xF7A  }
0x26: {  	[smem:$0x3F9F] =	sst s1;
	(tag) =	ssettag s2;
	_ =	strace s9  }
0x27: {  	s1 =	sld [smem:$0x3FAF]  }
0x28: {  	s2 =	sld [smem:$0x3FB0]  }
0x29: {  	s4 =	sld [smem:$0x3FB2]  }
0x2a: {  	p0 =	seq.s32 s5, $0x0;
	s5 =	sld [smem:$0x3FB3]  }
0x2b: {  	s6 =	sld [smem:$0x3FB4]  }
0x2c: {  	s7 =	sld [smem:$0x3FB5]  }
0x2d: {  	s3 =	simm.s32 $0x108;
	s8 =	sld [smem:$0x3FB6]  }
0x2e: {  	s3 =	simm.s32 @!p0 $0x1082;
	s9 =	sld [smem:$0x3FB7]  }
0x2f: {  	lr =	sadd.s32 s0, s3;
	s0 =	sld [smem:$0x3FAE]  }
0x30: {  	s3 =	sld [smem:$0x3FB1]  }
0x31: {  	[smem:$0x3FBA] =	sst s10  }
0x32: {  	s10 =	sld [smem:$0x3FB8];
	_ =	sdelay $0x3  }
0x33: {  	p0 =	seq.s32 s10, $0x1;
	s10 =	sld [smem:$0x3FBA];
	_ =	sdelay $0x3  }
0x34: {  	[smem:$0x3FBA] =	sst s10  }
0x35: {  	s10 =	sld [smem:$0x3FB9];
	_ =	sdelay $0x3  }
0x36: {  	p1 =	seq.s32 s10, $0x1;
	s10 =	sld [smem:$0x3FBA];
	_ =	sdelay $0x3  }
0x37: {  	[smem:$0x3FBA] =	sst s10  }
0x38: {  	s10 =	sld [smem:$0x3FBB]  }
0x39: {  	_ = 	snop;
	(pc) =	sbr.ind lr, $3  }
0x3a: {  	_ = 	snop  }
0x3b: {  	_ = 	snop  }
0x3c: {  	p2 =	seq.s32 s10, $0x1;
	s10 =	sld [smem:$0x3FBA]  }
0x3d: {  	_ =	shalt  }
0x3e: {  	_ =	shalt  }
0x3f: {  	_ =	shalt  }
0x40: {  	_ =	shalt  }
0x41: {  	_ =	shalt  }
0x42: {  	_ =	shalt  }
0x43: {  	_ =	shalt  }
0x44: {  	_ =	shalt  }
0x45: {  	_ =	shalt  }
0x46: {  	_ =	shalt  }
0x47: {  	_ =	shalt  }
0x48: {  	_ =	shalt  }
0x49: {  	_ =	shalt  }
0x4a: {  	_ =	shalt  }
0x4b: {  	_ =	shalt  }
0x4c: {  	_ =	shalt  }
0x4d: {  	_ =	shalt  }
0x4e: {  	_ =	shalt  }
0x4f: {  	_ =	shalt  }
0x50: {  	_ =	shalt  }
0x51: {  	_ =	shalt  }
0x52: {  	_ =	shalt  }
0x53: {  	_ =	shalt  }
0x54: {  	_ =	shalt  }
0x55: {  	_ =	shalt  }
0x56: {  	_ =	shalt  }
0x57: {  	_ =	shalt  }
0x58: {  	_ =	shalt  }
0x59: {  	_ =	shalt  }
0x5a: {  	_ =	shalt  }
0x5b: {  	_ =	shalt  }
0x5c: {  	_ =	shalt  }
0x5d: {  	_ =	shalt  }
0x5e: {  	_ =	shalt  }
0x5f: {  	_ =	shalt  }
0x60: {  	_ =	shalt  }
0x61: {  	_ =	shalt  }
0x62: {  	_ =	shalt  }
0x63: {  	_ =	shalt  }
0x64: {  	_ =	shalt  }
0x65: {  	_ =	shalt  }
0x66: {  	_ =	shalt  }
0x67: {  	_ =	shalt  }
0x68: {  	_ =	shalt  }
0x69: {  	_ =	shalt  }
0x6a: {  	_ =	shalt  }
0x6b: {  	_ =	shalt  }
0x6c: {  	_ =	shalt  }
0x6d: {  	_ =	shalt  }
0x6e: {  	_ =	shalt  }
0x6f: {  	_ =	shalt  }
0x70: {  	_ =	shalt  }
0x71: {  	_ =	shalt  }
0x72: {  	_ =	shalt  }
0x73: {  	_ =	shalt  }
0x74: {  	_ =	shalt  }
0x75: {  	_ =	shalt  }
0x76: {  	_ =	shalt  }
0x77: {  	_ =	shalt  }
0x78: {  	_ =	shalt  }
0x79: {  	_ =	shalt  }
0x7a: {  	_ =	shalt  }
0x7b: {  	_ =	shalt  }
0x7c: {  	_ =	shalt  }
0x7d: {  	_ =	shalt  }
0x7e: {  	_ =	shalt  }
0x7f: {  	_ =	shalt  }
0x80: {  	_ =	shalt  }
0x81: {  	_ =	shalt  }
0x82: {  	_ =	shalt  }
0x83: {  	_ =	shalt  }
0x84: {  	_ =	shalt  }
0x85: {  	_ =	shalt  }
0x86: {  	_ =	shalt  }
0x87: {  	_ =	shalt  }
.Lfunc_end0:
.L_simem_size_0:
called_computation_lowered:
.L_overlay_start_0:
0x88: {  	s2 =	sld [smem:$0x3FD9]  }
0x89: {  	s3 =	sld [smem:$0x3FFE];
	_ =	sdelay $0x1  }
0x8a: {  	s1 =	srdreg.scid  }
0x8b: {  	s0 =	sand.u32 $0x1, s1  }
0x8c: {  	s17 =	sshll.u32 s0, $0xA;
	s2 =	sadd.s32 s3, s2  }
0x8d: {  	s2 =	sadd.s32 s2, s17  }
0x8e: {  	[smem:$0x3FC6] =	sst s2  }
0x8f: {  	_ = 	snop  }
0x90: {  	s2 =	sld [smem:$0x3FC9]  }
0x91: {  	s18 =	sld [smem:$0x3FD0];
	(tm) =	ssettm $0x1  }
0x92: {  	s4 =	sld [smem:$0x3FFB];
	_ =	sdelay $0x3  }
0x93: {  	_ =	strace s4  }
0x94: {  	s4 =	sld [smem:$0x3FFC];
	_ =	sdelay $0x3  }
0x95: {  	_ =	strace s4  }
0x96: {  	s4 =	sld [smem:$0x3FFD];
	_ =	sdelay $0x3  }
0x97: {  	_ =	strace s4  }
0x98: {  	_ =	strace $0x8FFFFFFF  }
0x99: {  	s19 =	sld [smem:$0x3FDB];
	_ =	sdelay $0x1  }
0x9a: {  	s5 =	simm.s32 $_scs_section_size  }
0x9b: {  	s6 =	simm.s32 $_size__tile_overlayer_lowered;
	s7 =	simm.s32 $_tile_overlayer_lowered  }
0x9c: {  	s22 =	simm.s32 $0x1BFF;
	s21 =	sshll.u32 s7, $0x1;
	s4 =	sadd.s32 s5, s19  }
0x9d: {  	s8 =	simm.s32 $0x0;
	s20 =	sshll.u32 s6, $0x1;
	s6 =	sadd.s32 s21, s4  }
0x9e: {  	[timem:s8], [sflag:s22] =	dma.local [hbm:s6], s20  }
0x9f: {  	_ =	swait.ge [sflag:s22], s20  }
0xa0: {  	s5 =	ssub.s32 $0x0, s20;
	[sflag:s22] =	ssyncset.done $0x0  }
0xa1: {  	[sflag:s22] =	ssyncadd.s32 s5;
	_ =	sdelay $0x1  }
0xa2: {  	s23 =	simm.s32 $0x1B8B  }
0xa3: {  	_ =	swait.ge [sflag:s23], $0x1  }
0xa4: {  	[sflag:s23] =	ssyncset.done $0x0  }
0xa5: {  	s25 =	simm.s32 $0x1B8E;
	s24 =	sld [smem:$0x3FFE];
	[sflag:s23] =	ssyncadd.s32 $0xFFFFFFFF  }
0xa6: {  	s26 =	simm.s32 $execute0_lowered;
	[smem:$0x3FD2] =	sst s25  }
0xa7: {  	s6 =	sshll.u32 s26, $0x1;
	_ =	strace $0x80000046;
	[dreg:$0x1] =	wrdreg $0xFFFFFFFF  }
0xa8: {  	s28 =	simm.s32 $_size_execute0_lowered;
	s4 =	sadd.s32 s4, s6;
	[dreg:$0x0] =	wrdreg $0x0  }
0xa9: {  	s6 =	sshll.u32 s28, $0x1;
	[dreg:$0x2] =	wrdreg s4  }
0xaa: {  	[dreg:$0x3] =	wrdreg s6  }
0xab: {  	[dreg:$0x4] =	wrdreg $0xC0  }
0xac: {  	_ =	task [dreg:s8], $0x5FFFF  }
0xad: {  	[dreg:$0x1] =	wrdreg $0xFFFFFFFF  }
0xae: {  	[dreg:$0x0] =	wrdreg $0x60  }
0xaf: {  	[dreg:$0x2] =	wrdreg s2  }
0xb0: {  	[dreg:$0x3] =	wrdreg s24  }
0xb1: {  	[dreg:$0x4] =	wrdreg s18  }
0xb2: {  	[dreg:$0x5] =	wrdreg $0x9  }
0xb3: {  	_ =	task.clear_ibuf [dreg:s8], $0x6FFFF;
	_ =	strace $0x90000046  }
0xb4: {  	s29 =	simm.s32 $0x9;
	_ =	strace $0x80000048  }
0xb5: {  	_ =	swait.ge [sflag:s29], $0x1  }
0xb6: {  	[sflag:s29] =	ssyncadd.s32 $0xFFFFFFFF  }
0xb7: {  	_ =	strace $0x90000048  }
0xb8: {  	_ =	sfence  }
0xb9: {  	s30 =	sld [smem:$0x0];
	_ =	sdelay $0x2  }
0xba: {  	s31 =	sshll.u32 s1, $0xD;
	s1 =	sshrl.u32 s1, $0x2  }
0xbb: {  	s3 =	sand.u32 $0x4000, s31;
	s1 =	sadd.s32 s1, s30  }
0xbc: {  	s0 =	sor.u32 s3, s0;
	s1 =	sshll.u32 s1, $0x11  }
0xbd: {  	s0 =	sor.u32 s1, s0  }
0xbe: {  	s0 =	sadd.s32 $0x8F2B, s0  }
0xbf: {  	[sflag:s0] =	ssyncadd.remote.s32 $0x1  }
0xc0: {  	_ =	sfence.sel $0xFFFF  }
0xc1: {  	[dreg:$0x0] =	wrdreg $0xFFFFFFFF;
	(pc) =	sbr.abs _section_cstart, $3  }
0xc2: {  	[dreg:$0x1] =	wrdreg $0xFFFFFFFF  }
0xc3: {  	_ =	task.clear_ibuf [dreg:s8], $0x2FFFF;
	_ =	strace $0x9FFFFFFF  }
0xc4: {  	(tm) =	ssettm $0x7FFFFFFF  }
0xc5: {  	_ =	shalt  }
tec
execute0_lowered:
.L_overlay_start_1:
0x0: {  	(tag) =	ssettag $0x1  }
0x1: {  	s0 =	rddreg [dreg:$0x0]  }
0x2: {  	s1 =	rddreg [dreg:$0x1]  }
0x3: {  	s2 =	rddreg [dreg:$0x2];
	s6 =	simm.s32 $0x0;
	s25 =	srdreg.scid  }
0x4: {  	s4 =	stileid.u32;
	[smem:$0x7FF] =	sst s6  }
0x5: {  	s3 =	sadd.s32 $0x800, s1;
	s24 =	sadd.s32 $0x400, s1;
	s5 =	sadd.s32 $0x1400, s1  }
0x6: {  	s4 =	sshll.u32 s4, $0x1;
	_ =	strace $0x80000047;
	[dreg:$0x4] =	wrdreg s3  }
0x7: {  	s1 =	sadd.s32 $0xC00, s1;
	[dreg:$0x5] =	wrdreg s24;
	s3 =	sand.u32 $0x1, s25  }
0x8: {  	[dreg:$0x6] =	wrdreg s5;
	s26 =	ssub.s32 $0x2, s3;
	s3 =	sor.u32 s3, s4  }
0x9: {  	[dreg:$0x7] =	wrdreg s1;
	s29 =	sshll.u32 s3, $0x6  }
0xa: {  	v0 =	vlaneseq.u32;
	s28 =	sshrl.u32 s26, $0x1;
	s3 =	sshll.u32 s3, $0xC;
	s0 =	sadd.s32 s0, s29  }
0xb: {  	v0 =	vmul.u32 $0x2, v0;
	s1 =	ssub.s32 s26, s28;
	s30 =	sadd.s32 s2, s3;
	[dreg:$0x8] =	wrdreg s0  }
0xc: {  	[dreg:$0x9] =	wrdreg s30;
	s31 =	smax.u32 s1, $0x1  }
0xd: {  	s15 =	simm.s32 $0xB300;
	v1 =	vor.u32 $0x1, v0;
	s2 =	simm.s32 $0x0;
	[dreg:$0xa] =	wrdreg s31  }
.LBB2_1:
0xe: {  	[dreg:$0xb] =	wrdreg s2  }
0xf: {  	s0 =	rddreg [dreg:$0x4]  }
0x10: {  	[tilespmem:s6], [sflag:$0x1] =	stream.linear.gather [hbm4b:s0+s6], $0x1880, $0x38;
	[tilespmem:$0x13300] =	vst v63  }
0x11: {  	s23 =	rddreg [dreg:$0x5];
	s1 =	simm.s32 $0x1880  }
0x12: {  	[tilespmem:s1], [sflag:$0x1] =	stream.linear.gather [hbm4b:s23+s6], $0x1880, $0x38;
	[tilespmem:$0x13300] =	vst v63  }
0x13: {  	s24 =	rddreg [dreg:$0x6];
	s25 =	simm.s32 $0x3100  }
0x14: {  	[tilespmem:s25], [sflag:$0x1] =	stream.linear.gather [hbm4b:s24+s6], $0x4000, $0x38;
	[tilespmem:$0x13300] =	vst v63  }
0x15: {  	s26 =	rddreg [dreg:$0x7];
	s28 =	simm.s32 $0x7100  }
0x16: {  	[tilespmem:s28], [sflag:$0x1] =	stream.linear.gather [hbm4b:s26+s6], $0x4000, $0x38;
	[tilespmem:$0x13300] =	vst v63  }
0x17: {  	s29 =	rddreg [dreg:$0x8];
	s30 =	simm.s32 $0xB100;
	s31 =	simm.s32 $0x1  }
0x18: {  	[tilespmem:s30], [sflag:$0x1] =	stream.linear.gather [hbm4b:s29+s6], $0x200, $0x38;
	[tilespmem:$0x13300] =	vst v63  }
0x19: {  	_ =	swait.ge [sflag:s31], $0x1880  }
0x1a: {  	[sflag:s31] =	ssyncset.done $0x0  }
0x1b: {  	[sflag:s31] =	ssyncadd.s32 $0xFFFFE780  }
0x1c: {  	_ =	swait.ge [sflag:s31], $0x1880  }
0x1d: {  	[sflag:s31] =	ssyncset.done $0x0  }
0x1e: {  	[sflag:s31] =	ssyncadd.s32 $0xFFFFE780  }
0x1f: {  	_ =	swait.ge [sflag:s31], $0x4000  }
0x20: {  	[sflag:s31] =	ssyncset.done $0x0  }
0x21: {  	[sflag:s31] =	ssyncadd.s32 $0xFFFFC000  }
0x22: {  	_ =	swait.ge [sflag:s31], $0x4000  }
0x23: {  	[sflag:s31] =	ssyncset.done $0x0  }
0x24: {  	[sflag:s31] =	ssyncadd.s32 $0xFFFFC000  }
0x25: {  	_ =	swait.ge [sflag:s31], $0x200  }
0x26: {  	s19 =	simm.s32 $0xB110;
	[sflag:s31] =	ssyncset.done $0x0  }
0x27: {  	s20 =	simm.s32 $0x7E0;
	s26 =	simm.s32 $0xFFFFFFFE;
	[sflag:s31] =	ssyncadd.s32 $0xFFFFFE00  }
.LBB2_2:
0x28: {  	v2 =	vld [tilespmem:s19+$0xFFFFFFF0];
	_ =	sdelay $0x4  }
0x29: {  	v3 =	vshrl.u32 v2, $0x9  }
0x2a: {  	v3 =	vshll.u32 v3, $0x5  }
0x2b: {  	v2 =	vand.u32 $0x1FF, v2;
	(v2sf) =	vpush v3, $0x0  }
0x2c: {  	v2 =	vshll.u32 v2, $0x5  }
0x2d: {  	(v2sf) =	vpush v2, $0x0;
	_ =	sdelay $0xc  }
0x2e: {  	s0 =	spop (v2sf)  }
0x2f: {  	v4 =	vld [tilespmem:s0+$0x0]  }
0x30: {  	v5 =	vld [tilespmem:s0+$0x1880];
	s1 =	spop (v2sf)  }
0x31: {  	v6 =	vld [tilespmem:s1+$0x3100]  }
0x32: {  	v7 =	vld [tilespmem:s1+$0x7100];
	_ =	sdelay $0x2  }
0x33: {  	s2 =	sadd.s32 $0xFFFFF820, s20;
	(v2sf) =	vpush v3, $0x1  }
0x34: {  	v8 =	vor.u32 s2, v0;
	v11 =	vor.u32 s2, v1;
	(v2sf) =	vpush v2, $0x1  }
0x35: {  	(v2sf) =	vpush v3, $0x2;
	v9 =	vmul.f32 v7, v4;
	v10 =	vmul.f32 v6, v5  }
0x36: {  	(v2sf) =	vpush v2, $0x2;
	v5 =	vmul.f32 v7, v5;
	v4 =	vmul.f32 v6, v4  }
0x37: {  	(v2sf) =	vpush v3, $0x3;
	v50 =	vadd.f32 v9, v10  }
0x38: {  	(v2sf) =	vpush v2, $0x3;
	v4 =	vsub.f32 v5, v4  }
0x39: {  	(v2sf) =	vpush v3, $0x4;
	[tilespmem:v8+s15+$0x0] =	vst.idx.msk $0xffff, v50  }
0x3a: {  	(v2sf) =	vpush v2, $0x4;
	[tilespmem:v11+s15+$0x0] =	vst.idx.msk $0xffff, v4  }
0x3b: {  	(v2sf) =	vpush v3, $0x5;
	v4 =	vld [tilespmem:s0+$0x10]  }
0x3c: {  	(v2sf) =	vpush v2, $0x5;
	v51 =	vld [tilespmem:s0+$0x1890]  }
0x3d: {  	(v2sf) =	vpush v3, $0x6;
	v6 =	vld [tilespmem:s1+$0x3110]  }
0x3e: {  	v52 =	vld [tilespmem:s1+$0x7110];
	(v2sf) =	vpush v2, $0x6  }
0x3f: {  	(v2sf) =	vpush v3, $0x7  }
0x40: {  	(v2sf) =	vpush v2, $0x7  }
0x41: {  	(v2sf) =	vpush v3, $0x8  }
0x42: {  	s22 =	spop (v2sf);
	(v2sf) =	vpush v2, $0x8  }
0x43: {  	s21 =	spop (v2sf);
	(v2sf) =	vpush v3, $0x9  }
0x44: {  	s18 =	spop (v2sf);
	(v2sf) =	vpush v2, $0x9  }
0x45: {  	s14 =	spop (v2sf);
	(v2sf) =	vpush v3, $0xA  }
0x46: {  	s17 =	spop (v2sf);
	(v2sf) =	vpush v2, $0xA  }
0x47: {  	s1 =	spop (v2sf);
	(v2sf) =	vpush v3, $0xB  }
0x48: {  	s16 =	spop (v2sf);
	(v2sf) =	vpush v2, $0xB  }
0x49: {  	s9 =	spop (v2sf);
	(v2sf) =	vpush v3, $0xC  }
0x4a: {  	v53 =	vld [tilespmem:s19+$0x0];
	s8 =	spop (v2sf);
	(v2sf) =	vpush v2, $0xC  }
0x4b: {  	s7 =	spop (v2sf);
	(v2sf) =	vpush v3, $0xD  }
0x4c: {  	s6 =	spop (v2sf);
	(v2sf) =	vpush v2, $0xD  }
0x4d: {  	s5 =	spop (v2sf);
	(v2sf) =	vpush v3, $0xE  }
0x4e: {  	s4 =	spop (v2sf);
	(v2sf) =	vpush v2, $0xE  }
0x4f: {  	s3 =	spop (v2sf);
	(v2sf) =	vpush v3, $0xF;
	v3 =	vshrl.u32 v53, $0x9  }
0x50: {  	s13 =	spop (v2sf);
	(v2sf) =	vpush v2, $0xF;
	v2 =	vshll.u32 v3, $0x5  }
0x51: {  	v3 =	vand.u32 $0x1FF, v53;
	s12 =	spop (v2sf);
	(v2sf) =	vpush v2, $0x0  }
0x52: {  	v3 =	vshll.u32 v3, $0x5;
	s11 =	spop (v2sf)  }
0x53: {  	(v2sf) =	vpush v3, $0x0;
	s10 =	spop (v2sf)  }
0x54: {  	s2 =	spop (v2sf)  }
0x55: {  	s0 =	spop (v2sf)  }
0x56: {  	s31 =	spop (v2sf)  }
0x57: {  	s30 =	spop (v2sf)  }
0x58: {  	s29 =	spop (v2sf)  }
0x59: {  	s28 =	spop (v2sf)  }
0x5a: {  	s23 =	spop (v2sf)  }
0x5b: {  	s24 =	spop (v2sf)  }
0x5c: {  	s25 =	spop (v2sf)  }
0x5d: {  	[dreg:$0x10] =	wrdreg s24;
	s24 =	spop (v2sf)  }
0x5e: {  	[dreg:$0xf] =	wrdreg s25;
	s25 =	spop (v2sf)  }
0x5f: {  	[dreg:$0xe] =	wrdreg s24;
	s24 =	spop (v2sf)  }
0x60: {  	[dreg:$0x11] =	wrdreg s23;
	s23 =	spop (v2sf)  }
0x61: {  	v54 =	vld [tilespmem:s23+$0x0]  }
0x62: {  	[dreg:$0xc] =	wrdreg s24;
	v55 =	vld [tilespmem:s23+$0x1880];
	s24 =	spop (v2sf)  }
0x63: {  	v56 =	vld [tilespmem:s24+$0x3100]  }
0x64: {  	v57 =	vld [tilespmem:s24+$0x7100];
	_ =	sdelay $0x2  }
0x65: {  	[dreg:$0xd] =	wrdreg s25;
	s25 =	sadd.s32 $0xFFFFFC20, s20  }
0x66: {  	v12 =	vor.u32 s25, v0  }
0x67: {  	v13 =	vor.u32 s25, v1;
	v14 =	vmul.f32 v57, v54;
	v15 =	vmul.f32 v56, v55  }
0x68: {  	v9 =	vmul.f32 v57, v55;
	v8 =	vmul.f32 v56, v54  }
0x69: {  	v58 =	vadd.f32 v14, v15  }
0x6a: {  	v8 =	vsub.f32 v9, v8  }
0x6b: {  	(v2sf) =	vpush v2, $0x1;
	[tilespmem:v12+s15+$0x0] =	vst.idx.msk $0xffff, v58  }
0x6c: {  	[tilespmem:v13+s15+$0x0] =	vst.idx.msk $0xffff, v8  }
0x6d: {  	(v2sf) =	vpush v3, $0x1;
	v8 =	vld [tilespmem:s23+$0x10]  }
0x6e: {  	v59 =	vld [tilespmem:s23+$0x1890]  }
0x6f: {  	s25 =	sadd.s32 $0xFFFFF840, s20;
	v10 =	vld [tilespmem:s24+$0x3110]  }
0x70: {  	v61 =	vor.u32 s25, v0;
	v60 =	vld [tilespmem:s24+$0x7110]  }
0x71: {  	v63 =	vmul.f32 v52, v4;
	v18 =	vmul.f32 v6, v51;
	v62 =	vor.u32 s25, v1  }
0x72: {  	v5 =	vmul.f32 v52, v51;
	v4 =	vmul.f32 v6, v4  }
0x73: {  	v19 =	vadd.f32 v63, v18;
	s25 =	sadd.s32 $0xFFFFFC40, s20  }
0x74: {  	v4 =	vsub.f32 v5, v4;
	v20 =	vor.u32 s25, v0  }
0x75: {  	v21 =	vor.u32 s25, v1;
	[tilespmem:v61+s15+$0x0] =	vst.idx.msk $0xffff, v19;
	v22 =	vmul.f32 v60, v8;
	v23 =	vmul.f32 v10, v59  }
0x76: {  	[tilespmem:v62+s15+$0x0] =	vst.idx.msk $0xffff, v4;
	v24 =	vmul.f32 v60, v59;
	v8 =	vmul.f32 v10, v8  }
0x77: {  	v25 =	vld [tilespmem:s22+$0x0];
	v6 =	vadd.f32 v22, v23  }
0x78: {  	v26 =	vld [tilespmem:s22+$0x1880];
	v4 =	vsub.f32 v24, v8  }
0x79: {  	v27 =	vld [tilespmem:s21+$0x3100];
	[tilespmem:v20+s15+$0x0] =	vst.idx.msk $0xffff, v6  }
0x7a: {  	v28 =	vld [tilespmem:s21+$0x7100];
	s23 =	spop (v2sf);
	[tilespmem:v21+s15+$0x0] =	vst.idx.msk $0xffff, v4  }
0x7b: {  	v4 =	vld [tilespmem:s23+$0x0]  }
0x7c: {  	s24 =	spop (v2sf);
	v6 =	vld [tilespmem:s23+$0x1880]  }
0x7d: {  	s25 =	sadd.s32 $0xFFFFF860, s20;
	v7 =	vld [tilespmem:s24+$0x3100]  }
0x7e: {  	v29 =	vor.u32 s25, v0;
	v30 =	vld [tilespmem:s24+$0x7100]  }
0x7f: {  	v31 =	vor.u32 s25, v1;
	v32 =	vmul.f32 v28, v25;
	v33 =	vmul.f32 v27, v26  }
0x80: {  	v5 =	vmul.f32 v28, v26;
	v8 =	vmul.f32 v27, v25  }
0x81: {  	s25 =	sadd.s32 $0xFFFFFC60, s20;
	v34 =	vadd.f32 v32, v33  }
0x82: {  	v35 =	vor.u32 s25, v0;
	v5 =	vsub.f32 v5, v8  }
0x83: {  	v36 =	vor.u32 s25, v1;
	[tilespmem:v29+s15+$0x0] =	vst.idx.msk $0xffff, v34;
	v37 =	vmul.f32 v30, v4;
	v38 =	vmul.f32 v7, v6  }
0x84: {  	[tilespmem:v31+s15+$0x0] =	vst.idx.msk $0xffff, v5;
	v39 =	vmul.f32 v30, v6;
	v4 =	vmul.f32 v7, v4  }
0x85: {  	v40 =	vld [tilespmem:s22+$0x10];
	v41 =	vadd.f32 v37, v38  }
0x86: {  	v42 =	vld [tilespmem:s22+$0x1890];
	v4 =	vsub.f32 v39, v4  }
0x87: {  	(v2sf) =	vpush v2, $0x2;
	v43 =	vld [tilespmem:s21+$0x3110];
	[tilespmem:v35+s15+$0x0] =	vst.idx.msk $0xffff, v41  }
0x88: {  	v44 =	vld [tilespmem:s21+$0x7110];
	[tilespmem:v36+s15+$0x0] =	vst.idx.msk $0xffff, v4  }
0x89: {  	(v2sf) =	vpush v3, $0x2;
	v4 =	vld [tilespmem:s23+$0x10]  }
0x8a: {  	v8 =	vld [tilespmem:s23+$0x1890]  }
0x8b: {  	s22 =	sadd.s32 $0xFFFFF880, s20;
	v10 =	vld [tilespmem:s24+$0x3110]  }
0x8c: {  	v46 =	vor.u32 s22, v0;
	v45 =	vld [tilespmem:s24+$0x7110]  }
0x8d: {  	v47 =	vor.u32 s22, v1;
	v48 =	vmul.f32 v44, v40;
	v49 =	vmul.f32 v43, v42  }
0x8e: {  	v7 =	vmul.f32 v44, v42;
	v5 =	vmul.f32 v43, v40  }
0x8f: {  	v50 =	vadd.f32 v48, v49;
	s23 =	sadd.s32 $0xFFFFFC80, s20  }
0x90: {  	v5 =	vsub.f32 v7, v5;
	v51 =	vor.u32 s23, v0  }
0x91: {  	[tilespmem:v46+s15+$0x0] =	vst.idx.msk $0xffff, v50;
	v52 =	vor.u32 s23, v1;
	v53 =	vmul.f32 v45, v4;
	v54 =	vmul.f32 v10, v8  }
0x92: {  	[tilespmem:v47+s15+$0x0] =	vst.idx.msk $0xffff, v5;
	v55 =	vmul.f32 v45, v8;
	v4 =	vmul.f32 v10, v4  }
0x93: {  	v56 =	vld [tilespmem:s18+$0x0];
	v6 =	vadd.f32 v53, v54  }
0x94: {  	v57 =	vld [tilespmem:s18+$0x1880];
	v4 =	vsub.f32 v55, v4  }
0x95: {  	v58 =	vld [tilespmem:s14+$0x3100];
	[tilespmem:v51+s15+$0x0] =	vst.idx.msk $0xffff, v6  }
0x96: {  	s21 =	spop (v2sf);
	v59 =	vld [tilespmem:s14+$0x7100];
	[tilespmem:v52+s15+$0x0] =	vst.idx.msk $0xffff, v4  }
0x97: {  	v4 =	vld [tilespmem:s21+$0x0]  }
0x98: {  	s22 =	spop (v2sf);
	v7 =	vld [tilespmem:s21+$0x1880]  }
0x99: {  	s24 =	sadd.s32 $0xFFFFF8A0, s20;
	v9 =	vld [tilespmem:s22+$0x3100]  }
0x9a: {  	v60 =	vor.u32 s24, v0;
	v61 =	vld [tilespmem:s22+$0x7100]  }
0x9b: {  	v62 =	vor.u32 s24, v1;
	v63 =	vmul.f32 v59, v56;
	v18 =	vmul.f32 v58, v57  }
0x9c: {  	v5 =	vmul.f32 v58, v56;
	v6 =	vmul.f32 v59, v57  }
0x9d: {  	s25 =	sadd.s32 $0xFFFFFCA0, s20;
	v19 =	vadd.f32 v63, v18  }
0x9e: {  	v20 =	vor.u32 s25, v0;
	v5 =	vsub.f32 v6, v5  }
0x9f: {  	v21 =	vor.u32 s25, v1;
	[tilespmem:v60+s15+$0x0] =	vst.idx.msk $0xffff, v19;
	v22 =	vmul.f32 v61, v4;
	v23 =	vmul.f32 v9, v7  }
0xa0: {  	[tilespmem:v62+s15+$0x0] =	vst.idx.msk $0xffff, v5;
	v24 =	vmul.f32 v61, v7;
	v4 =	vmul.f32 v9, v4  }
0xa1: {  	v25 =	vld [tilespmem:s18+$0x10];
	v8 =	vadd.f32 v22, v23  }
0xa2: {  	v26 =	vld [tilespmem:s18+$0x1890];
	v4 =	vsub.f32 v24, v4  }
0xa3: {  	(v2sf) =	vpush v2, $0x3;
	v27 =	vld [tilespmem:s14+$0x3110];
	[tilespmem:v20+s15+$0x0] =	vst.idx.msk $0xffff, v8  }
0xa4: {  	v28 =	vld [tilespmem:s14+$0x7110];
	[tilespmem:v21+s15+$0x0] =	vst.idx.msk $0xffff, v4  }
0xa5: {  	(v2sf) =	vpush v3, $0x3;
	v4 =	vld [tilespmem:s21+$0x10]  }
0xa6: {  	v8 =	vld [tilespmem:s21+$0x1890]  }
0xa7: {  	s18 =	sadd.s32 $0xFFFFF8C0, s20;
	v10 =	vld [tilespmem:s22+$0x3110]  }
0xa8: {  	v30 =	vor.u32 s18, v0;
	v29 =	vld [tilespmem:s22+$0x7110]  }
0xa9: {  	v31 =	vor.u32 s18, v1;
	v32 =	vmul.f32 v28, v25;
	v33 =	vmul.f32 v27, v26  }
0xaa: {  	v6 =	vmul.f32 v28, v26;
	v5 =	vmul.f32 v27, v25  }
0xab: {  	v34 =	vadd.f32 v32, v33;
	s21 =	sadd.s32 $0xFFFFFCC0, s20  }
0xac: {  	v5 =	vsub.f32 v6, v5;
	v35 =	vor.u32 s21, v0  }
0xad: {  	v36 =	vor.u32 s21, v1;
	[tilespmem:v30+s15+$0x0] =	vst.idx.msk $0xffff, v34;
	v37 =	vmul.f32 v29, v4;
	v38 =	vmul.f32 v10, v8  }
0xae: {  	[tilespmem:v31+s15+$0x0] =	vst.idx.msk $0xffff, v5;
	v39 =	vmul.f32 v29, v8;
	v4 =	vmul.f32 v10, v4  }
0xaf: {  	v40 =	vld [tilespmem:s17+$0x0];
	v7 =	vadd.f32 v37, v38  }
0xb0: {  	v41 =	vld [tilespmem:s17+$0x1880];
	v4 =	vsub.f32 v39, v4  }
0xb1: {  	v42 =	vld [tilespmem:s1+$0x3100];
	[tilespmem:v35+s15+$0x0] =	vst.idx.msk $0xffff, v7  }
0xb2: {  	s22 =	spop (v2sf);
	v43 =	vld [tilespmem:s1+$0x7100];
	[tilespmem:v36+s15+$0x0] =	vst.idx.msk $0xffff, v4  }
0xb3: {  	v4 =	vld [tilespmem:s22+$0x0]  }
0xb4: {  	s23 =	spop (v2sf);
	v7 =	vld [tilespmem:s22+$0x1880]  }
0xb5: {  	s24 =	sadd.s32 $0xFFFFF8E0, s20;
	v9 =	vld [tilespmem:s23+$0x3100]  }
0xb6: {  	v44 =	vor.u32 s24, v0;
	v45 =	vld [tilespmem:s23+$0x7100]  }
0xb7: {  	v46 =	vor.u32 s24, v1;
	v47 =	vmul.f32 v43, v40;
	v48 =	vmul.f32 v42, v41  }
0xb8: {  	v6 =	vmul.f32 v43, v41;
	v5 =	vmul.f32 v42, v40  }
0xb9: {  	s25 =	sadd.s32 $0xFFFFFCE0, s20;
	v49 =	vadd.f32 v47, v48  }
0xba: {  	v50 =	vor.u32 s25, v0;
	v5 =	vsub.f32 v6, v5  }
0xbb: {  	v51 =	vor.u32 s25, v1;
	[tilespmem:v44+s15+$0x0] =	vst.idx.msk $0xffff, v49;
	v52 =	vmul.f32 v45, v4;
	v53 =	vmul.f32 v9, v7  }
0xbc: {  	[tilespmem:v46+s15+$0x0] =	vst.idx.msk $0xffff, v5;
	v54 =	vmul.f32 v45, v7;
	v4 =	vmul.f32 v9, v4  }
0xbd: {  	v55 =	vld [tilespmem:s17+$0x10];
	v8 =	vadd.f32 v52, v53  }
0xbe: {  	v56 =	vld [tilespmem:s17+$0x1890];
	v4 =	vsub.f32 v54, v4  }
0xbf: {  	(v2sf) =	vpush v2, $0x4;
	v57 =	vld [tilespmem:s1+$0x3110];
	[tilespmem:v50+s15+$0x0] =	vst.idx.msk $0xffff, v8  }
0xc0: {  	v58 =	vld [tilespmem:s1+$0x7110];
	[tilespmem:v51+s15+$0x0] =	vst.idx.msk $0xffff, v4  }
0xc1: {  	(v2sf) =	vpush v3, $0x4;
	v4 =	vld [tilespmem:s22+$0x10]  }
0xc2: {  	v8 =	vld [tilespmem:s22+$0x1890]  }
0xc3: {  	s17 =	sadd.s32 $0xFFFFF900, s20;
	v10 =	vld [tilespmem:s23+$0x3110]  }
0xc4: {  	v59 =	vor.u32 s17, v0;
	v60 =	vld [tilespmem:s23+$0x7110]  }
0xc5: {  	v63 =	vor.u32 s17, v1;
	v61 =	vmul.f32 v58, v55;
	v62 =	vmul.f32 v57, v56  }
0xc6: {  	v6 =	vmul.f32 v58, v56;
	v5 =	vmul.f32 v57, v55  }
0xc7: {  	s21 =	sadd.s32 $0xFFFFFD00, s20;
	v17 =	vadd.f32 v61, v62  }
0xc8: {  	v18 =	vor.u32 s21, v0;
	v5 =	vsub.f32 v6, v5  }
0xc9: {  	v21 =	vor.u32 s21, v1;
	[tilespmem:v59+s15+$0x0] =	vst.idx.msk $0xffff, v17;
	v19 =	vmul.f32 v60, v4;
	v20 =	vmul.f32 v10, v8  }
0xca: {  	[tilespmem:v63+s15+$0x0] =	vst.idx.msk $0xffff, v5;
	v22 =	vmul.f32 v60, v8;
	v4 =	vmul.f32 v10, v4  }
0xcb: {  	v23 =	vld [tilespmem:s16+$0x0];
	v7 =	vadd.f32 v19, v20  }
0xcc: {  	v24 =	vld [tilespmem:s16+$0x1880];
	v4 =	vsub.f32 v22, v4  }
0xcd: {  	v25 =	vld [tilespmem:s9+$0x3100];
	[tilespmem:v18+s15+$0x0] =	vst.idx.msk $0xffff, v7  }
0xce: {  	s22 =	spop (v2sf);
	v26 =	vld [tilespmem:s9+$0x7100];
	[tilespmem:v21+s15+$0x0] =	vst.idx.msk $0xffff, v4  }
0xcf: {  	v4 =	vld [tilespmem:s22+$0x0]  }
0xd0: {  	s23 =	spop (v2sf);
	v7 =	vld [tilespmem:s22+$0x1880]  }
0xd1: {  	s24 =	sadd.s32 $0xFFFFF920, s20;
	v27 =	vld [tilespmem:s23+$0x3100]  }
0xd2: {  	v28 =	vor.u32 s24, v0;
	v29 =	vld [tilespmem:s23+$0x7100]  }
0xd3: {  	v30 =	vor.u32 s24, v1;
	v31 =	vmul.f32 v26, v23;
	v32 =	vmul.f32 v25, v24  }
0xd4: {  	v6 =	vmul.f32 v26, v24;
	v5 =	vmul.f32 v25, v23  }
0xd5: {  	s25 =	sadd.s32 $0xFFFFFD20, s20;
	v33 =	vadd.f32 v31, v32  }
0xd6: {  	v34 =	vor.u32 s25, v0;
	v5 =	vsub.f32 v6, v5  }
0xd7: {  	v35 =	vor.u32 s25, v1;
	[tilespmem:v28+s15+$0x0] =	vst.idx.msk $0xffff, v33;
	v36 =	vmul.f32 v29, v4;
	v37 =	vmul.f32 v27, v7  }
0xd8: {  	[tilespmem:v30+s15+$0x0] =	vst.idx.msk $0xffff, v5;
	v38 =	vmul.f32 v29, v7;
	v4 =	vmul.f32 v27, v4  }
0xd9: {  	v39 =	vld [tilespmem:s16+$0x10];
	v8 =	vadd.f32 v36, v37  }
0xda: {  	v40 =	vld [tilespmem:s16+$0x1890];
	v4 =	vsub.f32 v38, v4  }
0xdb: {  	(v2sf) =	vpush v2, $0x5;
	v41 =	vld [tilespmem:s9+$0x3110];
	[tilespmem:v34+s15+$0x0] =	vst.idx.msk $0xffff, v8  }
0xdc: {  	v42 =	vld [tilespmem:s9+$0x7110];
	[tilespmem:v35+s15+$0x0] =	vst.idx.msk $0xffff, v4  }
0xdd: {  	(v2sf) =	vpush v3, $0x5;
	v4 =	vld [tilespmem:s22+$0x10]  }
0xde: {  	v8 =	vld [tilespmem:s22+$0x1890]  }
0xdf: {  	s18 =	sadd.s32 $0xFFFFF940, s20;
	v9 =	vld [tilespmem:s23+$0x3110]  }
0xe0: {  	v43 =	vor.u32 s18, v0;
	v44 =	vld [tilespmem:s23+$0x7110]  }
0xe1: {  	v47 =	vor.u32 s18, v1;
	v45 =	vmul.f32 v42, v39;
	v46 =	vmul.f32 v41, v40  }
0xe2: {  	v6 =	vmul.f32 v42, v40;
	v5 =	vmul.f32 v41, v39  }
0xe3: {  	s21 =	sadd.s32 $0xFFFFFD40, s20;
	v48 =	vadd.f32 v45, v46  }
0xe4: {  	v49 =	vor.u32 s21, v0;
	v5 =	vsub.f32 v6, v5  }
0xe5: {  	v52 =	vor.u32 s21, v1;
	[tilespmem:v43+s15+$0x0] =	vst.idx.msk $0xffff, v48;
	v50 =	vmul.f32 v44, v4;
	v51 =	vmul.f32 v9, v8  }
0xe6: {  	[tilespmem:v47+s15+$0x0] =	vst.idx.msk $0xffff, v5;
	v53 =	vmul.f32 v44, v8;
	v4 =	vmul.f32 v9, v4  }
0xe7: {  	v54 =	vld [tilespmem:s8+$0x0];
	v7 =	vadd.f32 v50, v51  }
0xe8: {  	v55 =	vld [tilespmem:s8+$0x1880];
	v4 =	vsub.f32 v53, v4  }
0xe9: {  	v56 =	vld [tilespmem:s7+$0x3100];
	[tilespmem:v49+s15+$0x0] =	vst.idx.msk $0xffff, v7  }
0xea: {  	s22 =	spop (v2sf);
	v57 =	vld [tilespmem:s7+$0x7100];
	[tilespmem:v52+s15+$0x0] =	vst.idx.msk $0xffff, v4  }
0xeb: {  	v4 =	vld [tilespmem:s22+$0x0]  }
0xec: {  	s23 =	spop (v2sf);
	v7 =	vld [tilespmem:s22+$0x1880]  }
0xed: {  	s24 =	sadd.s32 $0xFFFFF960, s20;
	v58 =	vld [tilespmem:s23+$0x3100]  }
0xee: {  	v59 =	vor.u32 s24, v0;
	v60 =	vld [tilespmem:s23+$0x7100]  }
0xef: {  	v63 =	vor.u32 s24, v1;
	v61 =	vmul.f32 v57, v54;
	v62 =	vmul.f32 v56, v55  }
0xf0: {  	v6 =	vmul.f32 v57, v55;
	v5 =	vmul.f32 v56, v54  }
0xf1: {  	s25 =	sadd.s32 $0xFFFFFD60, s20;
	v18 =	vadd.f32 v61, v62  }
0xf2: {  	v19 =	vor.u32 s25, v0;
	v5 =	vsub.f32 v6, v5  }
0xf3: {  	v20 =	vor.u32 s25, v1;
	[tilespmem:v59+s15+$0x0] =	vst.idx.msk $0xffff, v18;
	v21 =	vmul.f32 v60, v4;
	v22 =	vmul.f32 v58, v7  }
0xf4: {  	[tilespmem:v63+s15+$0x0] =	vst.idx.msk $0xffff, v5;
	v23 =	vmul.f32 v60, v7;
	v4 =	vmul.f32 v58, v4  }
0xf5: {  	v24 =	vld [tilespmem:s8+$0x10];
	v8 =	vadd.f32 v21, v22  }
0xf6: {  	v25 =	vld [tilespmem:s8+$0x1890];
	v4 =	vsub.f32 v23, v4  }
0xf7: {  	(v2sf) =	vpush v2, $0x6;
	v26 =	vld [tilespmem:s7+$0x3110];
	[tilespmem:v19+s15+$0x0] =	vst.idx.msk $0xffff, v8  }
0xf8: {  	v27 =	vld [tilespmem:s7+$0x7110];
	[tilespmem:v20+s15+$0x0] =	vst.idx.msk $0xffff, v4  }
0xf9: {  	(v2sf) =	vpush v3, $0x6;
	v4 =	vld [tilespmem:s22+$0x10]  }
0xfa: {  	v8 =	vld [tilespmem:s22+$0x1890]  }
0xfb: {  	s7 =	sadd.s32 $0xFFFFF980, s20;
	v9 =	vld [tilespmem:s23+$0x3110]  }
0xfc: {  	v28 =	vor.u32 s7, v0;
	v29 =	vld [tilespmem:s23+$0x7110]  }
0xfd: {  	v32 =	vor.u32 s7, v1;
	v30 =	vmul.f32 v27, v24;
	v31 =	vmul.f32 v26, v25  }
0xfe: {  	v6 =	vmul.f32 v27, v25;
	v5 =	vmul.f32 v26, v24  }
0xff: {  	s8 =	sadd.s32 $0xFFFFFD80, s20;
	v33 =	vadd.f32 v30, v31  }
0x100: {  	v34 =	vor.u32 s8, v0;
	v5 =	vsub.f32 v6, v5  }
0x101: {  	v37 =	vor.u32 s8, v1;
	[tilespmem:v28+s15+$0x0] =	vst.idx.msk $0xffff, v33;
	v35 =	vmul.f32 v29, v4;
	v36 =	vmul.f32 v9, v8  }
0x102: {  	[tilespmem:v32+s15+$0x0] =	vst.idx.msk $0xffff, v5;
	v38 =	vmul.f32 v29, v8;
	v4 =	vmul.f32 v9, v4  }
0x103: {  	v39 =	vld [tilespmem:s6+$0x0];
	v7 =	vadd.f32 v35, v36  }
0x104: {  	v40 =	vld [tilespmem:s6+$0x1880];
	v4 =	vsub.f32 v38, v4  }
0x105: {  	v41 =	vld [tilespmem:s5+$0x3100];
	[tilespmem:v34+s15+$0x0] =	vst.idx.msk $0xffff, v7  }
0x106: {  	s9 =	spop (v2sf);
	v42 =	vld [tilespmem:s5+$0x7100];
	[tilespmem:v37+s15+$0x0] =	vst.idx.msk $0xffff, v4  }
0x107: {  	v4 =	vld [tilespmem:s9+$0x0]  }
0x108: {  	s14 =	spop (v2sf);
	v7 =	vld [tilespmem:s9+$0x1880]  }
0x109: {  	s16 =	sadd.s32 $0xFFFFF9A0, s20;
	v43 =	vld [tilespmem:s14+$0x3100]  }
0x10a: {  	v44 =	vor.u32 s16, v0;
	v45 =	vld [tilespmem:s14+$0x7100]  }
0x10b: {  	v48 =	vor.u32 s16, v1;
	v46 =	vmul.f32 v42, v39;
	v47 =	vmul.f32 v41, v40  }
0x10c: {  	v6 =	vmul.f32 v42, v40;
	v5 =	vmul.f32 v41, v39  }
0x10d: {  	s17 =	sadd.s32 $0xFFFFFDA0, s20;
	v49 =	vadd.f32 v46, v47  }
0x10e: {  	v50 =	vor.u32 s17, v0;
	v5 =	vsub.f32 v6, v5  }
0x10f: {  	v51 =	vor.u32 s17, v1;
	[tilespmem:v44+s15+$0x0] =	vst.idx.msk $0xffff, v49;
	v52 =	vmul.f32 v45, v4;
	v53 =	vmul.f32 v43, v7  }
0x110: {  	[tilespmem:v48+s15+$0x0] =	vst.idx.msk $0xffff, v5;
	v54 =	vmul.f32 v45, v7;
	v4 =	vmul.f32 v43, v4  }
0x111: {  	v55 =	vld [tilespmem:s6+$0x10];
	v8 =	vadd.f32 v52, v53  }
0x112: {  	v56 =	vld [tilespmem:s6+$0x1890];
	v4 =	vsub.f32 v54, v4  }
0x113: {  	(v2sf) =	vpush v2, $0x7;
	v57 =	vld [tilespmem:s5+$0x3110];
	[tilespmem:v50+s15+$0x0] =	vst.idx.msk $0xffff, v8  }
0x114: {  	v58 =	vld [tilespmem:s5+$0x7110];
	[tilespmem:v51+s15+$0x0] =	vst.idx.msk $0xffff, v4  }
0x115: {  	(v2sf) =	vpush v3, $0x7;
	v4 =	vld [tilespmem:s9+$0x10]  }
0x116: {  	v8 =	vld [tilespmem:s9+$0x1890]  }
0x117: {  	s18 =	sadd.s32 $0xFFFFF9C0, s20;
	v9 =	vld [tilespmem:s14+$0x3110]  }
0x118: {  	v59 =	vor.u32 s18, v0;
	v60 =	vld [tilespmem:s14+$0x7110]  }
0x119: {  	v63 =	vor.u32 s18, v1;
	v61 =	vmul.f32 v58, v55;
	v62 =	vmul.f32 v57, v56  }
0x11a: {  	v6 =	vmul.f32 v58, v56;
	v5 =	vmul.f32 v57, v55  }
0x11b: {  	s21 =	sadd.s32 $0xFFFFFDC0, s20;
	v17 =	vadd.f32 v61, v62  }
0x11c: {  	v18 =	vor.u32 s21, v0;
	v5 =	vsub.f32 v6, v5  }
0x11d: {  	v21 =	vor.u32 s21, v1;
	[tilespmem:v59+s15+$0x0] =	vst.idx.msk $0xffff, v17;
	v19 =	vmul.f32 v60, v4;
	v20 =	vmul.f32 v9, v8  }
0x11e: {  	[tilespmem:v63+s15+$0x0] =	vst.idx.msk $0xffff, v5;
	v22 =	vmul.f32 v60, v8;
	v4 =	vmul.f32 v9, v4  }
0x11f: {  	v23 =	vld [tilespmem:s4+$0x0];
	v7 =	vadd.f32 v19, v20  }
0x120: {  	v24 =	vld [tilespmem:s4+$0x1880];
	v4 =	vsub.f32 v22, v4  }
0x121: {  	v25 =	vld [tilespmem:s3+$0x3100];
	[tilespmem:v18+s15+$0x0] =	vst.idx.msk $0xffff, v7  }
0x122: {  	s22 =	spop (v2sf);
	v26 =	vld [tilespmem:s3+$0x7100];
	[tilespmem:v21+s15+$0x0] =	vst.idx.msk $0xffff, v4  }
0x123: {  	v4 =	vld [tilespmem:s22+$0x0]  }
0x124: {  	s23 =	spop (v2sf);
	v7 =	vld [tilespmem:s22+$0x1880]  }
0x125: {  	s24 =	sadd.s32 $0xFFFFF9E0, s20;
	v27 =	vld [tilespmem:s23+$0x3100]  }
0x126: {  	v28 =	vor.u32 s24, v0;
	v29 =	vld [tilespmem:s23+$0x7100]  }
0x127: {  	v32 =	vor.u32 s24, v1;
	v30 =	vmul.f32 v26, v23;
	v31 =	vmul.f32 v25, v24  }
0x128: {  	v6 =	vmul.f32 v26, v24;
	v5 =	vmul.f32 v25, v23  }
0x129: {  	s25 =	sadd.s32 $0xFFFFFDE0, s20;
	v33 =	vadd.f32 v30, v31  }
0x12a: {  	v34 =	vor.u32 s25, v0;
	v5 =	vsub.f32 v6, v5  }
0x12b: {  	v35 =	vor.u32 s25, v1;
	[tilespmem:v28+s15+$0x0] =	vst.idx.msk $0xffff, v33;
	v36 =	vmul.f32 v29, v4;
	v37 =	vmul.f32 v27, v7  }
0x12c: {  	[tilespmem:v32+s15+$0x0] =	vst.idx.msk $0xffff, v5;
	v38 =	vmul.f32 v29, v7;
	v4 =	vmul.f32 v27, v4  }
0x12d: {  	v39 =	vld [tilespmem:s4+$0x10];
	v8 =	vadd.f32 v36, v37  }
0x12e: {  	v40 =	vld [tilespmem:s4+$0x1890];
	v4 =	vsub.f32 v38, v4  }
0x12f: {  	(v2sf) =	vpush v2, $0x8;
	v41 =	vld [tilespmem:s3+$0x3110];
	[tilespmem:v34+s15+$0x0] =	vst.idx.msk $0xffff, v8  }
0x130: {  	v42 =	vld [tilespmem:s3+$0x7110];
	[tilespmem:v35+s15+$0x0] =	vst.idx.msk $0xffff, v4  }
0x131: {  	(v2sf) =	vpush v3, $0x8;
	v4 =	vld [tilespmem:s22+$0x10]  }
0x132: {  	v8 =	vld [tilespmem:s22+$0x1890]  }
0x133: {  	s4 =	sadd.s32 $0xFFFFFA00, s20;
	v9 =	vld [tilespmem:s23+$0x3110]  }
0x134: {  	v43 =	vor.u32 s4, v0;
	v44 =	vld [tilespmem:s23+$0x7110]  }
0x135: {  	v47 =	vor.u32 s4, v1;
	v45 =	vmul.f32 v42, v39;
	v46 =	vmul.f32 v41, v40  }
0x136: {  	v6 =	vmul.f32 v42, v40;
	v5 =	vmul.f32 v41, v39  }
0x137: {  	s5 =	sadd.s32 $0xFFFFFE00, s20;
	v48 =	vadd.f32 v45, v46  }
0x138: {  	v49 =	vor.u32 s5, v0;
	v5 =	vsub.f32 v6, v5  }
0x139: {  	v52 =	vor.u32 s5, v1;
	[tilespmem:v43+s15+$0x0] =	vst.idx.msk $0xffff, v48;
	v50 =	vmul.f32 v44, v4;
	v51 =	vmul.f32 v9, v8  }
0x13a: {  	[tilespmem:v47+s15+$0x0] =	vst.idx.msk $0xffff, v5;
	v53 =	vmul.f32 v44, v8;
	v4 =	vmul.f32 v9, v4  }
0x13b: {  	v54 =	vld [tilespmem:s13+$0x0];
	v7 =	vadd.f32 v50, v51  }
0x13c: {  	v55 =	vld [tilespmem:s13+$0x1880];
	v4 =	vsub.f32 v53, v4  }
0x13d: {  	v56 =	vld [tilespmem:s12+$0x3100];
	[tilespmem:v49+s15+$0x0] =	vst.idx.msk $0xffff, v7  }
0x13e: {  	s6 =	spop (v2sf);
	v57 =	vld [tilespmem:s12+$0x7100];
	[tilespmem:v52+s15+$0x0] =	vst.idx.msk $0xffff, v4  }
0x13f: {  	v4 =	vld [tilespmem:s6+$0x0]  }
0x140: {  	s7 =	spop (v2sf);
	v7 =	vld [tilespmem:s6+$0x1880]  }
0x141: {  	s8 =	sadd.s32 $0xFFFFFA20, s20;
	v58 =	vld [tilespmem:s7+$0x3100]  }
0x142: {  	v59 =	vor.u32 s8, v0;
	v60 =	vld [tilespmem:s7+$0x7100]  }
0x143: {  	v63 =	vor.u32 s8, v1;
	v61 =	vmul.f32 v57, v54;
	v62 =	vmul.f32 v56, v55  }
0x144: {  	v6 =	vmul.f32 v57, v55;
	v5 =	vmul.f32 v56, v54  }
0x145: {  	s9 =	sadd.s32 $0xFFFFFE20, s20;
	v18 =	vadd.f32 v61, v62  }
0x146: {  	v19 =	vor.u32 s9, v0;
	v5 =	vsub.f32 v6, v5  }
0x147: {  	v20 =	vor.u32 s9, v1;
	[tilespmem:v59+s15+$0x0] =	vst.idx.msk $0xffff, v18;
	v21 =	vmul.f32 v60, v4;
	v22 =	vmul.f32 v58, v7  }
0x148: {  	[tilespmem:v63+s15+$0x0] =	vst.idx.msk $0xffff, v5;
	v23 =	vmul.f32 v60, v7;
	v4 =	vmul.f32 v58, v4  }
0x149: {  	v24 =	vld [tilespmem:s13+$0x10];
	v8 =	vadd.f32 v21, v22  }
0x14a: {  	v25 =	vld [tilespmem:s13+$0x1890];
	v4 =	vsub.f32 v23, v4  }
0x14b: {  	(v2sf) =	vpush v2, $0x9;
	v26 =	vld [tilespmem:s12+$0x3110];
	[tilespmem:v19+s15+$0x0] =	vst.idx.msk $0xffff, v8  }
0x14c: {  	v27 =	vld [tilespmem:s12+$0x7110];
	[tilespmem:v20+s15+$0x0] =	vst.idx.msk $0xffff, v4  }
0x14d: {  	(v2sf) =	vpush v3, $0x9;
	v4 =	vld [tilespmem:s6+$0x10]  }
0x14e: {  	v8 =	vld [tilespmem:s6+$0x1890]  }
0x14f: {  	s12 =	sadd.s32 $0xFFFFFA40, s20;
	v9 =	vld [tilespmem:s7+$0x3110]  }
0x150: {  	v28 =	vor.u32 s12, v0;
	v29 =	vld [tilespmem:s7+$0x7110]  }
0x151: {  	v32 =	vor.u32 s12, v1;
	v30 =	vmul.f32 v27, v24;
	v31 =	vmul.f32 v26, v25  }
0x152: {  	v6 =	vmul.f32 v27, v25;
	v5 =	vmul.f32 v26, v24  }
0x153: {  	s13 =	sadd.s32 $0xFFFFFE40, s20;
	v33 =	vadd.f32 v30, v31  }
0x154: {  	v34 =	vor.u32 s13, v0;
	v5 =	vsub.f32 v6, v5  }
0x155: {  	v37 =	vor.u32 s13, v1;
	[tilespmem:v28+s15+$0x0] =	vst.idx.msk $0xffff, v33;
	v35 =	vmul.f32 v29, v4;
	v36 =	vmul.f32 v9, v8  }
0x156: {  	[tilespmem:v32+s15+$0x0] =	vst.idx.msk $0xffff, v5;
	v38 =	vmul.f32 v29, v8;
	v4 =	vmul.f32 v9, v4  }
0x157: {  	v39 =	vld [tilespmem:s11+$0x0];
	v7 =	vadd.f32 v35, v36  }
0x158: {  	v40 =	vld [tilespmem:s11+$0x1880];
	v4 =	vsub.f32 v38, v4  }
0x159: {  	v41 =	vld [tilespmem:s10+$0x3100];
	[tilespmem:v34+s15+$0x0] =	vst.idx.msk $0xffff, v7  }
0x15a: {  	s14 =	spop (v2sf);
	v42 =	vld [tilespmem:s10+$0x7100];
	[tilespmem:v37+s15+$0x0] =	vst.idx.msk $0xffff, v4  }
0x15b: {  	v4 =	vld [tilespmem:s14+$0x0]  }
0x15c: {  	s16 =	spop (v2sf);
	v7 =	vld [tilespmem:s14+$0x1880]  }
0x15d: {  	s17 =	sadd.s32 $0xFFFFFA60, s20;
	v43 =	vld [tilespmem:s16+$0x3100]  }
0x15e: {  	v44 =	vor.u32 s17, v0;
	v45 =	vld [tilespmem:s16+$0x7100]  }
0x15f: {  	v48 =	vor.u32 s17, v1;
	v46 =	vmul.f32 v42, v39;
	v47 =	vmul.f32 v41, v40  }
0x160: {  	v6 =	vmul.f32 v42, v40;
	v5 =	vmul.f32 v41, v39  }
0x161: {  	s18 =	sadd.s32 $0xFFFFFE60, s20;
	v49 =	vadd.f32 v46, v47  }
0x162: {  	v50 =	vor.u32 s18, v0;
	v5 =	vsub.f32 v6, v5  }
0x163: {  	v51 =	vor.u32 s18, v1;
	[tilespmem:v44+s15+$0x0] =	vst.idx.msk $0xffff, v49;
	v52 =	vmul.f32 v45, v4;
	v53 =	vmul.f32 v43, v7  }
0x164: {  	[tilespmem:v48+s15+$0x0] =	vst.idx.msk $0xffff, v5;
	v54 =	vmul.f32 v45, v7;
	v4 =	vmul.f32 v43, v4  }
0x165: {  	v55 =	vld [tilespmem:s11+$0x10];
	v8 =	vadd.f32 v52, v53  }
0x166: {  	v56 =	vld [tilespmem:s11+$0x1890];
	v4 =	vsub.f32 v54, v4  }
0x167: {  	(v2sf) =	vpush v2, $0xA;
	v57 =	vld [tilespmem:s10+$0x3110];
	[tilespmem:v50+s15+$0x0] =	vst.idx.msk $0xffff, v8  }
0x168: {  	v58 =	vld [tilespmem:s10+$0x7110];
	[tilespmem:v51+s15+$0x0] =	vst.idx.msk $0xffff, v4  }
0x169: {  	(v2sf) =	vpush v3, $0xA;
	v4 =	vld [tilespmem:s14+$0x10]  }
0x16a: {  	v8 =	vld [tilespmem:s14+$0x1890]  }
0x16b: {  	s21 =	sadd.s32 $0xFFFFFA80, s20;
	v9 =	vld [tilespmem:s16+$0x3110]  }
0x16c: {  	v59 =	vor.u32 s21, v0;
	v60 =	vld [tilespmem:s16+$0x7110]  }
0x16d: {  	v63 =	vor.u32 s21, v1;
	v61 =	vmul.f32 v58, v55;
	v62 =	vmul.f32 v57, v56  }
0x16e: {  	v6 =	vmul.f32 v58, v56;
	v5 =	vmul.f32 v57, v55  }
0x16f: {  	s22 =	sadd.s32 $0xFFFFFE80, s20;
	v17 =	vadd.f32 v61, v62  }
0x170: {  	v18 =	vor.u32 s22, v0;
	v5 =	vsub.f32 v6, v5  }
0x171: {  	v21 =	vor.u32 s22, v1;
	[tilespmem:v59+s15+$0x0] =	vst.idx.msk $0xffff, v17;
	v19 =	vmul.f32 v60, v4;
	v20 =	vmul.f32 v9, v8  }
0x172: {  	[tilespmem:v63+s15+$0x0] =	vst.idx.msk $0xffff, v5;
	v22 =	vmul.f32 v60, v8;
	v4 =	vmul.f32 v9, v4  }
0x173: {  	v23 =	vld [tilespmem:s2+$0x0];
	v7 =	vadd.f32 v19, v20  }
0x174: {  	v24 =	vld [tilespmem:s2+$0x1880];
	v4 =	vsub.f32 v22, v4  }
0x175: {  	v25 =	vld [tilespmem:s0+$0x3100];
	[tilespmem:v18+s15+$0x0] =	vst.idx.msk $0xffff, v7  }
0x176: {  	s23 =	spop (v2sf);
	v26 =	vld [tilespmem:s0+$0x7100];
	[tilespmem:v21+s15+$0x0] =	vst.idx.msk $0xffff, v4  }
0x177: {  	v4 =	vld [tilespmem:s23+$0x0]  }
0x178: {  	s24 =	spop (v2sf);
	v7 =	vld [tilespmem:s23+$0x1880]  }
0x179: {  	s25 =	sadd.s32 $0xFFFFFAA0, s20;
	v27 =	vld [tilespmem:s24+$0x3100]  }
0x17a: {  	v28 =	vor.u32 s25, v0;
	v29 =	vld [tilespmem:s24+$0x7100]  }
0x17b: {  	v32 =	vor.u32 s25, v1;
	v30 =	vmul.f32 v26, v23;
	v31 =	vmul.f32 v25, v24  }
0x17c: {  	v6 =	vmul.f32 v26, v24;
	v5 =	vmul.f32 v25, v23  }
0x17d: {  	s5 =	sadd.s32 $0xFFFFFEA0, s20;
	v33 =	vadd.f32 v30, v31  }
0x17e: {  	v34 =	vor.u32 s5, v0;
	v5 =	vsub.f32 v6, v5  }
0x17f: {  	v35 =	vor.u32 s5, v1;
	[tilespmem:v28+s15+$0x0] =	vst.idx.msk $0xffff, v33;
	v36 =	vmul.f32 v29, v4;
	v37 =	vmul.f32 v27, v7  }
0x180: {  	[tilespmem:v32+s15+$0x0] =	vst.idx.msk $0xffff, v5;
	v38 =	vmul.f32 v29, v7;
	v4 =	vmul.f32 v27, v4  }
0x181: {  	v39 =	vld [tilespmem:s2+$0x10];
	v8 =	vadd.f32 v36, v37  }
0x182: {  	v40 =	vld [tilespmem:s2+$0x1890];
	v4 =	vsub.f32 v38, v4  }
0x183: {  	(v2sf) =	vpush v2, $0xB;
	v41 =	vld [tilespmem:s0+$0x3110];
	[tilespmem:v34+s15+$0x0] =	vst.idx.msk $0xffff, v8  }
0x184: {  	v42 =	vld [tilespmem:s0+$0x7110];
	[tilespmem:v35+s15+$0x0] =	vst.idx.msk $0xffff, v4  }
0x185: {  	(v2sf) =	vpush v3, $0xB;
	v4 =	vld [tilespmem:s23+$0x10]  }
0x186: {  	v8 =	vld [tilespmem:s23+$0x1890]  }
0x187: {  	s6 =	sadd.s32 $0xFFFFFAC0, s20;
	v9 =	vld [tilespmem:s24+$0x3110]  }
0x188: {  	v43 =	vor.u32 s6, v0;
	v44 =	vld [tilespmem:s24+$0x7110]  }
0x189: {  	v47 =	vor.u32 s6, v1;
	v45 =	vmul.f32 v42, v39;
	v46 =	vmul.f32 v41, v40  }
0x18a: {  	v6 =	vmul.f32 v42, v40;
	v5 =	vmul.f32 v41, v39  }
0x18b: {  	s7 =	sadd.s32 $0xFFFFFEC0, s20;
	v48 =	vadd.f32 v45, v46  }
0x18c: {  	v49 =	vor.u32 s7, v0;
	v5 =	vsub.f32 v6, v5  }
0x18d: {  	v52 =	vor.u32 s7, v1;
	[tilespmem:v43+s15+$0x0] =	vst.idx.msk $0xffff, v48;
	v50 =	vmul.f32 v44, v4;
	v51 =	vmul.f32 v9, v8  }
0x18e: {  	[tilespmem:v47+s15+$0x0] =	vst.idx.msk $0xffff, v5;
	v53 =	vmul.f32 v44, v8;
	v4 =	vmul.f32 v9, v4  }
0x18f: {  	v54 =	vld [tilespmem:s31+$0x0];
	v7 =	vadd.f32 v50, v51  }
0x190: {  	v55 =	vld [tilespmem:s31+$0x1880];
	v4 =	vsub.f32 v53, v4  }
0x191: {  	v56 =	vld [tilespmem:s30+$0x3100];
	[tilespmem:v49+s15+$0x0] =	vst.idx.msk $0xffff, v7  }
0x192: {  	s8 =	spop (v2sf);
	v57 =	vld [tilespmem:s30+$0x7100];
	[tilespmem:v52+s15+$0x0] =	vst.idx.msk $0xffff, v4  }
0x193: {  	v4 =	vld [tilespmem:s8+$0x0]  }
0x194: {  	s9 =	spop (v2sf);
	v7 =	vld [tilespmem:s8+$0x1880]  }
0x195: {  	s10 =	sadd.s32 $0xFFFFFAE0, s20;
	v58 =	vld [tilespmem:s9+$0x3100]  }
0x196: {  	v59 =	vor.u32 s10, v0;
	v60 =	vld [tilespmem:s9+$0x7100]  }
0x197: {  	v63 =	vor.u32 s10, v1;
	v61 =	vmul.f32 v57, v54;
	v62 =	vmul.f32 v56, v55  }
0x198: {  	v6 =	vmul.f32 v57, v55;
	v5 =	vmul.f32 v56, v54  }
0x199: {  	s11 =	sadd.s32 $0xFFFFFEE0, s20;
	v18 =	vadd.f32 v61, v62  }
0x19a: {  	v19 =	vor.u32 s11, v0;
	v5 =	vsub.f32 v6, v5  }
0x19b: {  	v20 =	vor.u32 s11, v1;
	[tilespmem:v59+s15+$0x0] =	vst.idx.msk $0xffff, v18;
	v21 =	vmul.f32 v60, v4;
	v22 =	vmul.f32 v58, v7  }
0x19c: {  	[tilespmem:v63+s15+$0x0] =	vst.idx.msk $0xffff, v5;
	v23 =	vmul.f32 v60, v7;
	v4 =	vmul.f32 v58, v4  }
0x19d: {  	v24 =	vld [tilespmem:s31+$0x10];
	v8 =	vadd.f32 v21, v22  }
0x19e: {  	v25 =	vld [tilespmem:s31+$0x1890];
	v4 =	vsub.f32 v23, v4  }
0x19f: {  	(v2sf) =	vpush v2, $0xC;
	v26 =	vld [tilespmem:s30+$0x3110];
	[tilespmem:v19+s15+$0x0] =	vst.idx.msk $0xffff, v8  }
0x1a0: {  	v27 =	vld [tilespmem:s30+$0x7110];
	[tilespmem:v20+s15+$0x0] =	vst.idx.msk $0xffff, v4  }
0x1a1: {  	(v2sf) =	vpush v3, $0xC;
	v4 =	vld [tilespmem:s8+$0x10]  }
0x1a2: {  	v8 =	vld [tilespmem:s8+$0x1890]  }
0x1a3: {  	s12 =	sadd.s32 $0xFFFFFB00, s20;
	v9 =	vld [tilespmem:s9+$0x3110]  }
0x1a4: {  	v28 =	vor.u32 s12, v0;
	v29 =	vld [tilespmem:s9+$0x7110]  }
0x1a5: {  	v32 =	vor.u32 s12, v1;
	v30 =	vmul.f32 v27, v24;
	v31 =	vmul.f32 v26, v25  }
0x1a6: {  	v6 =	vmul.f32 v27, v25;
	v5 =	vmul.f32 v26, v24  }
0x1a7: {  	s13 =	sadd.s32 $0xFFFFFF00, s20;
	v33 =	vadd.f32 v30, v31  }
0x1a8: {  	v34 =	vor.u32 s13, v0;
	v5 =	vsub.f32 v6, v5  }
0x1a9: {  	v37 =	vor.u32 s13, v1;
	[tilespmem:v28+s15+$0x0] =	vst.idx.msk $0xffff, v33;
	v35 =	vmul.f32 v29, v4;
	v36 =	vmul.f32 v9, v8  }
0x1aa: {  	[tilespmem:v32+s15+$0x0] =	vst.idx.msk $0xffff, v5;
	v38 =	vmul.f32 v29, v8;
	v4 =	vmul.f32 v9, v4  }
0x1ab: {  	v39 =	vld [tilespmem:s29+$0x0];
	v7 =	vadd.f32 v35, v36  }
0x1ac: {  	v40 =	vld [tilespmem:s29+$0x1880];
	v4 =	vsub.f32 v38, v4  }
0x1ad: {  	v41 =	vld [tilespmem:s28+$0x3100];
	[tilespmem:v34+s15+$0x0] =	vst.idx.msk $0xffff, v7  }
0x1ae: {  	s14 =	spop (v2sf);
	v42 =	vld [tilespmem:s28+$0x7100];
	[tilespmem:v37+s15+$0x0] =	vst.idx.msk $0xffff, v4  }
0x1af: {  	v4 =	vld [tilespmem:s14+$0x0]  }
0x1b0: {  	s16 =	spop (v2sf);
	v7 =	vld [tilespmem:s14+$0x1880]  }
0x1b1: {  	s17 =	sadd.s32 $0xFFFFFB20, s20;
	v43 =	vld [tilespmem:s16+$0x3100]  }
0x1b2: {  	v44 =	vor.u32 s17, v0;
	v45 =	vld [tilespmem:s16+$0x7100]  }
0x1b3: {  	v48 =	vor.u32 s17, v1;
	v46 =	vmul.f32 v42, v39;
	v47 =	vmul.f32 v41, v40  }
0x1b4: {  	v6 =	vmul.f32 v42, v40;
	v5 =	vmul.f32 v41, v39  }
0x1b5: {  	s18 =	sadd.s32 $0xFFFFFF20, s20;
	v49 =	vadd.f32 v46, v47  }
0x1b6: {  	v50 =	vor.u32 s18, v0;
	v5 =	vsub.f32 v6, v5  }
0x1b7: {  	v51 =	vor.u32 s18, v1;
	[tilespmem:v44+s15+$0x0] =	vst.idx.msk $0xffff, v49;
	v52 =	vmul.f32 v45, v4;
	v53 =	vmul.f32 v43, v7  }
0x1b8: {  	[tilespmem:v48+s15+$0x0] =	vst.idx.msk $0xffff, v5;
	v54 =	vmul.f32 v45, v7;
	v4 =	vmul.f32 v43, v4  }
0x1b9: {  	v55 =	vld [tilespmem:s29+$0x10];
	v8 =	vadd.f32 v52, v53  }
0x1ba: {  	v56 =	vld [tilespmem:s29+$0x1890];
	v4 =	vsub.f32 v54, v4  }
0x1bb: {  	(v2sf) =	vpush v2, $0xD;
	v57 =	vld [tilespmem:s28+$0x3110];
	[tilespmem:v50+s15+$0x0] =	vst.idx.msk $0xffff, v8  }
0x1bc: {  	v58 =	vld [tilespmem:s28+$0x7110];
	[tilespmem:v51+s15+$0x0] =	vst.idx.msk $0xffff, v4  }
0x1bd: {  	(v2sf) =	vpush v3, $0xD;
	v4 =	vld [tilespmem:s14+$0x10]  }
0x1be: {  	v8 =	vld [tilespmem:s14+$0x1890]  }
0x1bf: {  	s21 =	sadd.s32 $0xFFFFFB40, s20;
	v9 =	vld [tilespmem:s16+$0x3110]  }
0x1c0: {  	v59 =	vor.u32 s21, v0;
	v60 =	vld [tilespmem:s16+$0x7110]  }
0x1c1: {  	v63 =	vor.u32 s21, v1;
	v61 =	vmul.f32 v58, v55;
	v62 =	vmul.f32 v57, v56  }
0x1c2: {  	v6 =	vmul.f32 v58, v56;
	v5 =	vmul.f32 v57, v55  }
0x1c3: {  	s22 =	sadd.s32 $0xFFFFFF40, s20;
	v17 =	vadd.f32 v61, v62  }
0x1c4: {  	v18 =	vor.u32 s22, v0;
	v5 =	vsub.f32 v6, v5  }
0x1c5: {  	v21 =	vor.u32 s22, v1;
	[tilespmem:v59+s15+$0x0] =	vst.idx.msk $0xffff, v17;
	v19 =	vmul.f32 v60, v4;
	v20 =	vmul.f32 v9, v8  }
0x1c6: {  	s23 =	rddreg [dreg:$0x11];
	[tilespmem:v63+s15+$0x0] =	vst.idx.msk $0xffff, v5;
	v22 =	vmul.f32 v60, v8;
	v4 =	vmul.f32 v9, v4  }
0x1c7: {  	v23 =	vld [tilespmem:s23+$0x0];
	v7 =	vadd.f32 v19, v20  }
0x1c8: {  	s25 =	rddreg [dreg:$0x10];
	v24 =	vld [tilespmem:s23+$0x1880];
	v4 =	vsub.f32 v22, v4  }
0x1c9: {  	v25 =	vld [tilespmem:s25+$0x3100];
	[tilespmem:v18+s15+$0x0] =	vst.idx.msk $0xffff, v7  }
0x1ca: {  	s29 =	spop (v2sf);
	v26 =	vld [tilespmem:s25+$0x7100];
	[tilespmem:v21+s15+$0x0] =	vst.idx.msk $0xffff, v4  }
0x1cb: {  	v4 =	vld [tilespmem:s29+$0x0]  }
0x1cc: {  	s30 =	spop (v2sf);
	v7 =	vld [tilespmem:s29+$0x1880]  }
0x1cd: {  	s31 =	sadd.s32 $0xFFFFFB60, s20;
	v27 =	vld [tilespmem:s30+$0x3100]  }
0x1ce: {  	v28 =	vor.u32 s31, v0;
	v29 =	vld [tilespmem:s30+$0x7100]  }
0x1cf: {  	v32 =	vor.u32 s31, v1;
	v30 =	vmul.f32 v26, v23;
	v31 =	vmul.f32 v25, v24  }
0x1d0: {  	v6 =	vmul.f32 v26, v24;
	v5 =	vmul.f32 v25, v23  }
0x1d1: {  	s5 =	sadd.s32 $0xFFFFFF60, s20;
	v33 =	vadd.f32 v30, v31  }
0x1d2: {  	v34 =	vor.u32 s5, v0;
	v5 =	vsub.f32 v6, v5  }
0x1d3: {  	v35 =	vor.u32 s5, v1;
	[tilespmem:v28+s15+$0x0] =	vst.idx.msk $0xffff, v33;
	v36 =	vmul.f32 v29, v4;
	v37 =	vmul.f32 v27, v7  }
0x1d4: {  	s24 =	smov.u32 s23;
	[tilespmem:v32+s15+$0x0] =	vst.idx.msk $0xffff, v5;
	v38 =	vmul.f32 v29, v7;
	v4 =	vmul.f32 v27, v4  }
0x1d5: {  	v39 =	vld [tilespmem:s24+$0x10];
	v8 =	vadd.f32 v36, v37  }
0x1d6: {  	s28 =	smov.u32 s25;
	v40 =	vld [tilespmem:s24+$0x1890];
	v4 =	vsub.f32 v38, v4  }
0x1d7: {  	(v2sf) =	vpush v2, $0xE;
	v41 =	vld [tilespmem:s28+$0x3110];
	[tilespmem:v34+s15+$0x0] =	vst.idx.msk $0xffff, v8  }
0x1d8: {  	v42 =	vld [tilespmem:s28+$0x7110];
	[tilespmem:v35+s15+$0x0] =	vst.idx.msk $0xffff, v4  }
0x1d9: {  	(v2sf) =	vpush v3, $0xE;
	v4 =	vld [tilespmem:s29+$0x10]  }
0x1da: {  	v8 =	vld [tilespmem:s29+$0x1890]  }
0x1db: {  	s6 =	sadd.s32 $0xFFFFFB80, s20;
	v9 =	vld [tilespmem:s30+$0x3110]  }
0x1dc: {  	v43 =	vor.u32 s6, v0;
	v44 =	vld [tilespmem:s30+$0x7110]  }
0x1dd: {  	v47 =	vor.u32 s6, v1;
	v45 =	vmul.f32 v42, v39;
	v46 =	vmul.f32 v41, v40  }
0x1de: {  	v6 =	vmul.f32 v42, v40;
	v5 =	vmul.f32 v41, v39  }
0x1df: {  	s7 =	sadd.s32 $0xFFFFFF80, s20;
	v48 =	vadd.f32 v45, v46  }
0x1e0: {  	v49 =	vor.u32 s7, v0;
	v5 =	vsub.f32 v6, v5  }
0x1e1: {  	v52 =	vor.u32 s7, v1;
	[tilespmem:v43+s15+$0x0] =	vst.idx.msk $0xffff, v48;
	v50 =	vmul.f32 v44, v4;
	v51 =	vmul.f32 v9, v8  }
0x1e2: {  	s8 =	rddreg [dreg:$0xf];
	[tilespmem:v47+s15+$0x0] =	vst.idx.msk $0xffff, v5;
	v53 =	vmul.f32 v44, v8;
	v4 =	vmul.f32 v9, v4  }
0x1e3: {  	v54 =	vld [tilespmem:s8+$0x0];
	v7 =	vadd.f32 v50, v51  }
0x1e4: {  	s10 =	rddreg [dreg:$0xe];
	v55 =	vld [tilespmem:s8+$0x1880];
	v4 =	vsub.f32 v53, v4  }
0x1e5: {  	v56 =	vld [tilespmem:s10+$0x3100];
	[tilespmem:v49+s15+$0x0] =	vst.idx.msk $0xffff, v7  }
0x1e6: {  	s12 =	spop (v2sf);
	v57 =	vld [tilespmem:s10+$0x7100];
	[tilespmem:v52+s15+$0x0] =	vst.idx.msk $0xffff, v4  }
0x1e7: {  	v4 =	vld [tilespmem:s12+$0x0]  }
0x1e8: {  	s13 =	spop (v2sf);
	v7 =	vld [tilespmem:s12+$0x1880]  }
0x1e9: {  	s14 =	sadd.s32 $0xFFFFFBA0, s20;
	v58 =	vld [tilespmem:s13+$0x3100]  }
0x1ea: {  	v59 =	vor.u32 s14, v0;
	v60 =	vld [tilespmem:s13+$0x7100]  }
0x1eb: {  	v63 =	vor.u32 s14, v1;
	v61 =	vmul.f32 v57, v54;
	v62 =	vmul.f32 v56, v55  }
0x1ec: {  	v6 =	vmul.f32 v57, v55;
	v5 =	vmul.f32 v56, v54  }
0x1ed: {  	s16 =	sadd.s32 $0xFFFFFFA0, s20;
	v18 =	vadd.f32 v61, v62  }
0x1ee: {  	v19 =	vor.u32 s16, v0;
	v5 =	vsub.f32 v6, v5  }
0x1ef: {  	v20 =	vor.u32 s16, v1;
	[tilespmem:v59+s15+$0x0] =	vst.idx.msk $0xffff, v18;
	v21 =	vmul.f32 v60, v4;
	v22 =	vmul.f32 v58, v7  }
0x1f0: {  	s9 =	smov.u32 s8;
	[tilespmem:v63+s15+$0x0] =	vst.idx.msk $0xffff, v5;
	v23 =	vmul.f32 v60, v7;
	v4 =	vmul.f32 v58, v4  }
0x1f1: {  	v24 =	vld [tilespmem:s9+$0x10];
	v8 =	vadd.f32 v21, v22  }
0x1f2: {  	s11 =	smov.u32 s10;
	v25 =	vld [tilespmem:s9+$0x1890];
	v4 =	vsub.f32 v23, v4  }
0x1f3: {  	(v2sf) =	vpush v2, $0xF;
	v26 =	vld [tilespmem:s11+$0x3110];
	[tilespmem:v19+s15+$0x0] =	vst.idx.msk $0xffff, v8  }
0x1f4: {  	v2 =	vld [tilespmem:s11+$0x7110];
	[tilespmem:v20+s15+$0x0] =	vst.idx.msk $0xffff, v4  }
0x1f5: {  	(v2sf) =	vpush v3, $0xF;
	v4 =	vld [tilespmem:s12+$0x10]  }
0x1f6: {  	v3 =	vld [tilespmem:s12+$0x1890]  }
0x1f7: {  	s17 =	sadd.s32 $0xFFFFFBC0, s20;
	v6 =	vld [tilespmem:s13+$0x3110]  }
0x1f8: {  	v27 =	vor.u32 s17, v0;
	v9 =	vld [tilespmem:s13+$0x7110]  }
0x1f9: {  	v30 =	vor.u32 s17, v1;
	v28 =	vmul.f32 v2, v24;
	v29 =	vmul.f32 v26, v25  }
0x1fa: {  	v2 =	vmul.f32 v2, v25;
	v5 =	vmul.f32 v26, v24  }
0x1fb: {  	s18 =	sadd.s32 $0xFFFFFFC0, s20;
	v31 =	vadd.f32 v28, v29  }
0x1fc: {  	v32 =	vor.u32 s18, v0;
	v2 =	vsub.f32 v2, v5  }
0x1fd: {  	v35 =	vor.u32 s18, v1;
	[tilespmem:v27+s15+$0x0] =	vst.idx.msk $0xffff, v31;
	v33 =	vmul.f32 v9, v4;
	v34 =	vmul.f32 v6, v3  }
0x1fe: {  	s21 =	rddreg [dreg:$0xd];
	[tilespmem:v30+s15+$0x0] =	vst.idx.msk $0xffff, v2;
	v2 =	vmul.f32 v9, v3;
	v3 =	vmul.f32 v6, v4  }
0x1ff: {  	v36 =	vld [tilespmem:s21+$0x0];
	v37 =	vadd.f32 v33, v34  }
0x200: {  	s23 =	rddreg [dreg:$0xc];
	v38 =	vld [tilespmem:s21+$0x1880];
	v2 =	vsub.f32 v2, v3  }
0x201: {  	v39 =	vld [tilespmem:s23+$0x7100];
	[tilespmem:v32+s15+$0x0] =	vst.idx.msk $0xffff, v37  }
0x202: {  	s24 =	spop (v2sf);
	v3 =	vld [tilespmem:s23+$0x3100];
	[tilespmem:v35+s15+$0x0] =	vst.idx.msk $0xffff, v2  }
0x203: {  	v2 =	vld [tilespmem:s24+$0x0]  }
0x204: {  	s28 =	spop (v2sf);
	v6 =	vld [tilespmem:s24+$0x1880]  }
0x205: {  	s29 =	sadd.s32 $0xFFFFFBE0, s20;
	v40 =	vld [tilespmem:s28+$0x3100]  }
0x206: {  	v41 =	vor.u32 s29, v0;
	v10 =	vld [tilespmem:s28+$0x7100]  }
0x207: {  	v44 =	vor.u32 s29, v1;
	v42 =	vmul.f32 v39, v36;
	v43 =	vmul.f32 v3, v38  }
0x208: {  	v5 =	vmul.f32 v39, v38;
	v3 =	vmul.f32 v3, v36  }
0x209: {  	s30 =	sadd.s32 $0xFFFFFFE0, s20;
	v45 =	vadd.f32 v42, v43  }
0x20a: {  	v46 =	vor.u32 s30, v0;
	v3 =	vsub.f32 v5, v3  }
0x20b: {  	v47 =	vor.u32 s30, v1;
	[tilespmem:v41+s15+$0x0] =	vst.idx.msk $0xffff, v45;
	v48 =	vmul.f32 v10, v2;
	v49 =	vmul.f32 v40, v6  }
0x20c: {  	s22 =	smov.u32 s21;
	v2 =	vmul.f32 v40, v2;
	[tilespmem:v44+s15+$0x0] =	vst.idx.msk $0xffff, v3;
	v3 =	vmul.f32 v10, v6  }
0x20d: {  	v50 =	vld [tilespmem:s22+$0x10];
	v4 =	vadd.f32 v48, v49  }
0x20e: {  	s25 =	smov.u32 s23;
	v51 =	vld [tilespmem:s22+$0x1890];
	v2 =	vsub.f32 v3, v2  }
0x20f: {  	v52 =	vld [tilespmem:s25+$0x7110];
	[tilespmem:v46+s15+$0x0] =	vst.idx.msk $0xffff, v4  }
0x210: {  	v3 =	vld [tilespmem:s25+$0x3110];
	[tilespmem:v47+s15+$0x0] =	vst.idx.msk $0xffff, v2  }
0x211: {  	v2 =	vld [tilespmem:s24+$0x10]  }
0x212: {  	v5 =	vld [tilespmem:s24+$0x1890]  }
0x213: {  	v7 =	vld [tilespmem:s28+$0x3110]  }
0x214: {  	v53 =	vld [tilespmem:s28+$0x7110]  }
0x215: {  	s31 =	sadd.s32 $0xFFFFFC00, s20  }
0x216: {  	v56 =	vor.u32 s31, v0;
	v57 =	vor.u32 s31, v1  }
0x217: {  	v61 =	vor.u32 s20, v1;
	v54 =	vmul.f32 v52, v50;
	v55 =	vmul.f32 v3, v51  }
0x218: {  	s26 =	sadd.s32 $0x2, s26;
	v58 =	vor.u32 s20, v0;
	v4 =	vmul.f32 v52, v51;
	v3 =	vmul.f32 v3, v50  }
0x219: {  	p0 =	slt.u32 s26, $0x1E;
	v10 =	vadd.f32 v54, v55;
	v59 =	vmul.f32 v53, v2;
	v60 =	vmul.f32 v7, v5  }
.Ltmp0:
0x21a: {  	v3 =	vsub.f32 v4, v3;
	v62 =	vmul.f32 v53, v5;
	v2 =	vmul.f32 v7, v2;
	(pc) =	sbr.rel @p0 .LBB2_2-.Ltmp0, $4  }
0x21b: {  	[tilespmem:v56+s15+$0x0] =	vst.idx.msk $0xffff, v10;
	v63 =	vadd.f32 v59, v60  }
0x21c: {  	[tilespmem:v57+s15+$0x0] =	vst.idx.msk $0xffff, v3;
	v2 =	vsub.f32 v62, v2  }
0x21d: {  	[tilespmem:v58+s15+$0x0] =	vst.idx.msk $0xffff, v63  }
0x21e: {  	s19 =	sadd.s32 $0x20, s19;
	s20 =	sadd.s32 $0x800, s20;
	[tilespmem:v61+s15+$0x0] =	vst.idx.msk $0xffff, v2  }
0x21f: {  	s6 =	simm.s32 $0x0;
	s0 =	rddreg [dreg:$0x9];
	s1 =	simm.s32 $0x2  }
0x220: {  	[hbm4b:s0+s6] =	stream.linear.scatter [tilespmem:s15], [sflag:$0x2], $0x8000, $0x38;
	[tilespmem:$0x13300] =	vst v63  }
0x221: {  	_ =	swait.ge [sflag:s1], $0x8000  }
0x222: {  	s2 =	rddreg [dreg:$0xb]  }
0x223: {  	s31 =	rddreg [dreg:$0xa];
	s2 =	sadd.s32 $0x1, s2  }
0x224: {  	p0 =	sne.s32 s2, s31  }
.Ltmp1:
0x225: {  	_ = 	snop;
	(pc) =	sbr.rel @p0 .LBB2_1-.Ltmp1, $3  }
0x226: {  	_ =	sdelay $0x1  }
0x227: {  	[sflag:s1] =	ssyncset.done $0x0  }
0x228: {  	[sflag:s1] =	ssyncadd.s32 $0xFFFF8000  }
0x229: {  	_ =	sfence.sel $0x180000  }
0x22a: {  	[bflag:$0x0] =	sbarrier.arrive $0xFFFF  }
0x22b: {  	_ =	strace $0x90000047  }
0x22c: {  	s0 =	stileid.u32;
	[bflag:$0x2] =	sbarrier.arrive $0xFFFF  }
0x22d: {  	p0 =	sne.s32 s0, $0x0;
	s0 =	rddreg [dreg:$0x3]  }
0x22e: {  	s0 =	sadd.s32 @!p0 $0x100000, s0  }
0x22f: {  	[sflag:s0] =	ssyncadd.tile.s32 @!p0 $0x1;
	_ =	shalt  }
.Lfunc_end2:
_tile_overlayer_lowered:
.L_overlay_start_2:
0x230: {  	(tag) =	ssettag $0x2  }
0x231: {  	s0 =	rddreg [dreg:$0x0];
	s2 =	stileid.u32  }
0x232: {  	s1 =	rddreg [dreg:$0x1];
	p0 =	sne.s32 s2, $0x0  }
0x233: {  	s3 =	rddreg [dreg:$0x2];
	[bflag:$0x3] =	sbarrier.arrive $0xFFFF;
	s2 =	simm.s32 @!p0 $0x1C02  }
0x234: {  	[timem:s3], [sflag:s2] =	dma.local @!p0 [hbm:s0], s1  }
0x235: {  	s0 =	simm.s32 @!p0 $0x2  }
0x236: {  	_ =	swait.ge @!p0 [sflag:s0], s1  }
0x237: {  	s1 =	ssub.s32 @!p0 $0x0, s1;
	[sflag:s0] =	ssyncset.done @!p0 $0x0  }
0x238: {  	[sflag:s0] =	ssyncadd.s32 @!p0 s1  }
0x239: {  	[bflag:$0x3] =	sbarrier.arrive $0xFFFF  }
0x23a: {  	_ =	shalt  }

</sc_bundles>
